<compile_context>
chip_gen: v7x
topology: tpu7x:2x2x1
jax: 0.10.2.dev20260603
libtpu: 0.0.44.dev20260713+nightly
codegen_flags: <defaults>
</compile_context>

<pallas_src>
import functools
import numpy as np
import jax
import jax.numpy as jnp
from jax.experimental import pallas as pl
from jax.experimental.pallas import tpu as pltpu
from jax.experimental.pallas import tpu_sc as plsc

S = 2048
H = 768
NH, HD = 12, 64
NR = 14
NS = 2
TOPK = 2
INTER = 768
NRW = 16
RT = 256
AT = 512
TILE = 256
SCBLK = 128
NPAIR = S * TOPK
PBUF = NPAIR + NR * TILE
NBLK = PBUF // TILE
SCALE = 1.0 / np.sqrt(HD)

try:
    _info = plsc.get_sparse_core_info()
    _NC, _NSUB = _info.num_cores, _info.num_subcores
except Exception:
    _NC, _NSUB = 2, 16
NW = _NC * _NSUB


def _gelu(x):
    return 0.5 * x * (1.0 + jax.lax.erf(x * np.float32(1.0 / np.sqrt(2.0))))


def _ln(x, g, b):
    m = jnp.mean(x, axis=-1, keepdims=True)
    v = jnp.mean((x - m) ** 2, axis=-1, keepdims=True)
    return (x - m) * jax.lax.rsqrt(v + 1e-5) * g + b



def _ln_qkv_body(x_ref, g_ref, b_ref, wq_ref, wk_ref, wv_ref,
                 bq_ref, bk_ref, bv_ref, o_ref):
    h = _ln(x_ref[...], g_ref[...], b_ref[...]).astype(jnp.bfloat16)
    o_ref[:, 0 * H:1 * H] = jnp.dot(h, wq_ref[...].astype(jnp.bfloat16),
                                    preferred_element_type=jnp.float32) + bq_ref[...]
    o_ref[:, 1 * H:2 * H] = jnp.dot(h, wk_ref[...].astype(jnp.bfloat16),
                                    preferred_element_type=jnp.float32) + bk_ref[...]
    o_ref[:, 2 * H:3 * H] = jnp.dot(h, wv_ref[...].astype(jnp.bfloat16),
                                    preferred_element_type=jnp.float32) + bv_ref[...]


def _attn_body(q_ref, k_ref, v_ref, o_ref):
    q = q_ref[...].astype(jnp.bfloat16)
    k = k_ref[...].astype(jnp.bfloat16)
    v = v_ref[...].astype(jnp.bfloat16)
    for h in range(NH):
        sl = slice(h * HD, (h + 1) * HD)
        s = jax.lax.dot_general(q[:, sl], k[:, sl], (((1,), (1,)), ((), ())),
                                preferred_element_type=jnp.float32) * SCALE
        e = jnp.exp(s)
        sm = jnp.sum(e, axis=-1, keepdims=True)
        ctx = jnp.dot(e.astype(jnp.bfloat16), v[:, sl],
                      preferred_element_type=jnp.float32)
        o_ref[:, sl] = ctx * (1.0 / sm)


def _proj_moe_body(c_ref, w_ref, b_ref, x_ref, g_ref, bb_ref,
                   w1_ref, b1_ref, w2_ref, b2_ref, wr_ref, br_ref,
                   h2_ref, part_ref, tv_ref, ti_ref):
    a = jnp.dot(c_ref[...].astype(jnp.bfloat16), w_ref[...].astype(jnp.bfloat16),
                preferred_element_type=jnp.float32)
    a = a + b_ref[...] + x_ref[...]
    h = _ln(a, g_ref[...], bb_ref[...])
    h2_ref[...] = h
    hb = h.astype(jnp.bfloat16)
    shared = a + h + b2_ref[0:1, :] + b2_ref[1:2, :]
    for e in range(NS):
        act = _gelu(jnp.dot(hb, w1_ref[e].astype(jnp.bfloat16),
                            preferred_element_type=jnp.float32) + b1_ref[e:e + 1, :])
        shared += jnp.dot(act.astype(jnp.bfloat16), w2_ref[e].astype(jnp.bfloat16),
                          preferred_element_type=jnp.float32)
    part_ref[...] = shared
    logits = jnp.dot(h, wr_ref[...], preferred_element_type=jnp.float32) + br_ref[...]
    lm = jnp.max(logits, axis=-1, keepdims=True)
    ex = jnp.exp(logits - lm)
    aff = ex / jnp.sum(ex, axis=-1, keepdims=True)
    col = jax.lax.broadcasted_iota(jnp.int32, aff.shape, 1)
    i1 = jnp.argmax(aff, axis=-1)
    m1 = jnp.max(aff, axis=-1)
    masked = jnp.where(col == i1[:, None], -1.0, aff)
    i2 = jnp.argmax(masked, axis=-1)
    m2 = jnp.max(masked, axis=-1)
    colw = jax.lax.broadcasted_iota(jnp.int32, (aff.shape[0], NRW), 1)
    tv_ref[...] = jnp.where(colw == 0, m1[:, None],
                            jnp.where(colw == 1, m2[:, None], 0.0))
    ti_ref[...] = jnp.where(colw == 0, i1[:, None].astype(jnp.int32),
                            jnp.where(colw == 1, i2[:, None].astype(jnp.int32), 0))


def _moe_ffn_body(se_ref, xg_ref, w1_ref, b1_ref, w2_ref, b2_ref, o_ref):
    del se_ref
    act = _gelu(jnp.dot(xg_ref[...].astype(jnp.bfloat16),
                        w1_ref[0].astype(jnp.bfloat16),
                        preferred_element_type=jnp.float32) + b1_ref[0])
    o_ref[...] = jnp.dot(act.astype(jnp.bfloat16), w2_ref[0].astype(jnp.bfloat16),
                         preferred_element_type=jnp.float32) + b2_ref[0]


def _combine_body(p_ref, tv_ref, y1_ref, y2_ref, o_ref):
    tv = tv_ref[...]
    o_ref[...] = (p_ref[...] + tv[:, 0:1] * y1_ref[...] + tv[:, 1:2] * y2_ref[...])



def _sc_dispatch(h2, dst):
    rows_per_w = S // NW
    mesh = plsc.VectorSubcoreMesh(core_axis_name="c", subcore_axis_name="s")

    @functools.partial(
        pl.kernel, mesh=mesh,
        out_type=jax.ShapeDtypeStruct((PBUF, H), jnp.float32),
        scratch_types=[
            pltpu.VMEM((rows_per_w,), jnp.int32),
            pltpu.VMEM((rows_per_w,), jnp.int32),
            pltpu.VMEM((rows_per_w, H), jnp.float32),
            pltpu.SemaphoreType.DMA,
            pltpu.SemaphoreType.DMA,
        ],
    )
    def k(h2_hbm, dst_hbm, out_hbm, ie_v, io_v, rows_v, sem_l, sem_s):
        wid = jax.lax.axis_index("s") * _NC + jax.lax.axis_index("c")
        base = wid * rows_per_w
        l1 = pltpu.async_copy(dst_hbm.at[pl.ds(base, rows_per_w)], ie_v, sem_l)
        l2 = pltpu.async_copy(dst_hbm.at[pl.ds(S + base, rows_per_w)], io_v, sem_l)
        l3 = pltpu.async_copy(h2_hbm.at[pl.ds(base, rows_per_w)], rows_v, sem_l)
        l1.wait()
        l2.wait()
        l3.wait()
        s1 = pltpu.async_copy(rows_v, out_hbm.at[ie_v], sem_s)
        s2 = pltpu.async_copy(rows_v, out_hbm.at[io_v], sem_s)
        s1.wait()
        s2.wait()

    return k(h2, dst)


def _sc_gather(table, idx):
    n = idx.shape[0]
    nblk = n // SCBLK
    mesh = plsc.VectorSubcoreMesh(core_axis_name="c", subcore_axis_name="s")

    @functools.partial(
        pl.kernel, mesh=mesh,
        out_type=jax.ShapeDtypeStruct((n, H), jnp.float32),
        scratch_types=[
            pltpu.VMEM((SCBLK,), jnp.int32),
            pltpu.VMEM((SCBLK, H), jnp.float32),
            pltpu.SemaphoreType.DMA,
        ],
    )
    def k(table_hbm, idx_hbm, out_hbm, idx_v, rows_v, sem):
        wid = jax.lax.axis_index("s") * _NC + jax.lax.axis_index("c")
        for j in range((nblk + NW - 1) // NW):
            t = wid + j * NW

            @pl.when(t < nblk)
            def _do():
                base = t * SCBLK
                pltpu.sync_copy(idx_hbm.at[pl.ds(base, SCBLK)], idx_v)
                pltpu.async_copy(table_hbm.at[idx_v], rows_v, sem).wait()
                pltpu.sync_copy(rows_v, out_hbm.at[pl.ds(base, SCBLK)])

    return k(table, idx)



def _ln_qkv(x2, g, b, wq, wk, wv, bq, bk, bv):
    wspec = pl.BlockSpec((H, H), lambda i: (0, 0))
    bspec = pl.BlockSpec((1, H), lambda i: (0, 0))
    return pl.pallas_call(
        _ln_qkv_body,
        grid=(S // RT,),
        in_specs=[
            pl.BlockSpec((RT, H), lambda i: (i, 0)),
            bspec, bspec, wspec, wspec, wspec, bspec, bspec, bspec,
        ],
        out_specs=pl.BlockSpec((RT, 3 * H), lambda i: (i, 0)),
        out_shape=jax.ShapeDtypeStruct((S, 3 * H), jnp.float32),
    )(x2, g, b, wq, wk, wv, bq, bk, bv)


def _attention(qkv):
    return pl.pallas_call(
        _attn_body,
        grid=(S // AT,),
        in_specs=[
            pl.BlockSpec((AT, H), lambda r: (r, 0)),
            pl.BlockSpec((S, H), lambda r: (0, 1)),
            pl.BlockSpec((S, H), lambda r: (0, 2)),
        ],
        out_specs=pl.BlockSpec((AT, H), lambda r: (r, 0)),
        out_shape=jax.ShapeDtypeStruct((S, H), jnp.float32),
    )(qkv, qkv, qkv)


def _proj_moe(ctx, wo, bo, x2, g2, b2, w1c, b1c, w2c, b2s, wr, br):
    return pl.pallas_call(
        _proj_moe_body,
        grid=(S // RT,),
        in_specs=[
            pl.BlockSpec((RT, H), lambda i: (i, 0)),
            pl.BlockSpec((H, H), lambda i: (0, 0)),
            pl.BlockSpec((1, H), lambda i: (0, 0)),
            pl.BlockSpec((RT, H), lambda i: (i, 0)),
            pl.BlockSpec((1, H), lambda i: (0, 0)),
            pl.BlockSpec((1, H), lambda i: (0, 0)),
            pl.BlockSpec((NS, H, INTER), lambda i: (0, 0, 0)),
            pl.BlockSpec((NS, INTER), lambda i: (0, 0)),
            pl.BlockSpec((NS, INTER, H), lambda i: (0, 0, 0)),
            pl.BlockSpec((NS, H), lambda i: (0, 0)),
            pl.BlockSpec((H, NR), lambda i: (0, 0)),
            pl.BlockSpec((1, NR), lambda i: (0, 0)),
        ],
        out_specs=[
            pl.BlockSpec((RT, H), lambda i: (i, 0)),
            pl.BlockSpec((RT, H), lambda i: (i, 0)),
            pl.BlockSpec((RT, NRW), lambda i: (i, 0)),
            pl.BlockSpec((RT, NRW), lambda i: (i, 0)),
        ],
        out_shape=[
            jax.ShapeDtypeStruct((S, H), jnp.float32),
            jax.ShapeDtypeStruct((S, H), jnp.float32),
            jax.ShapeDtypeStruct((S, NRW), jnp.float32),
            jax.ShapeDtypeStruct((S, NRW), jnp.int32),
        ],
    )(ctx, wo, bo, x2, g2, b2, w1c, b1c, w2c, b2s, wr, br)


def _moe_ffn(tile_expert, xg, rW1, rb1, rW2, rb2):
    grid_spec = pltpu.PrefetchScalarGridSpec(
        num_scalar_prefetch=1,
        grid=(NBLK,),
        in_specs=[
            pl.BlockSpec((TILE, H), lambda t, se: (t, 0)),
            pl.BlockSpec((1, H, INTER), lambda t, se: (se[t], 0, 0)),
            pl.BlockSpec((1, 1, INTER), lambda t, se: (se[t], 0, 0)),
            pl.BlockSpec((1, INTER, H), lambda t, se: (se[t], 0, 0)),
            pl.BlockSpec((1, 1, H), lambda t, se: (se[t], 0, 0)),
        ],
        out_specs=pl.BlockSpec((TILE, H), lambda t, se: (t, 0)),
    )
    return pl.pallas_call(
        _moe_ffn_body,
        grid_spec=grid_spec,
        out_shape=jax.ShapeDtypeStruct((PBUF, H), jnp.float32),
    )(tile_expert, xg, rW1, rb1[:, None, :], rW2, rb2[:, None, :])


def _combine(partial, tvp, yp):
    nrt = S // RT
    return pl.pallas_call(
        _combine_body,
        grid=(nrt,),
        in_specs=[
            pl.BlockSpec((RT, H), lambda i: (i, 0)),
            pl.BlockSpec((RT, NRW), lambda i: (i, 0)),
            pl.BlockSpec((RT, H), lambda i: (i, 0)),
            pl.BlockSpec((RT, H), lambda i: (i + nrt, 0)),
        ],
        out_specs=pl.BlockSpec((RT, H), lambda i: (i, 0)),
        out_shape=jax.ShapeDtypeStruct((S, H), jnp.float32),
    )(partial, tvp, yp, yp)


def _route_indices(ti):
    e_p = jnp.concatenate([ti[:, 0], ti[:, 1]])
    oh = (e_p[:, None] == jnp.arange(NR, dtype=jnp.int32)[None, :]).astype(jnp.int32)
    pc = jnp.cumsum(oh, axis=0)
    rank = jnp.take_along_axis(pc, e_p[:, None], axis=1)[:, 0] - 1
    counts = pc[-1]
    tiles_per = (counts + TILE - 1) // TILE
    ends = jnp.cumsum(tiles_per)
    base = (jnp.concatenate([jnp.zeros((1,), ends.dtype), ends[:-1]]) * TILE).astype(jnp.int32)
    dst = base[e_p] + rank
    tile_expert = jnp.minimum(
        jnp.searchsorted(ends, jnp.arange(NBLK, dtype=ends.dtype), side="right"),
        NR - 1).astype(jnp.int32)
    return dst, tile_expert


def kernel(x, ln1_g, ln1_b, ln2_g, ln2_b, Wq, bq, Wk, bk, Wv, bv, Wo, bo,
           Wr, br, sW1, sb1, sW2, sb2, rW1, rb1, rW2, rb2):
    x2 = x[0]

    qkv = _ln_qkv(x2, ln1_g[None, :], ln1_b[None, :], Wq, Wk, Wv,
                  bq[None, :], bk[None, :], bv[None, :])
    ctx2 = _attention(qkv)

    h2, partial, tvp, tip = _proj_moe(
        ctx2, Wo, bo[None, :], x2, ln2_g[None, :], ln2_b[None, :],
        sW1, sb1, sW2, sb2, Wr, br[None, :])

    dst, tile_expert = _route_indices(tip)
    xg = _sc_dispatch(h2, dst)
    y_pad = _moe_ffn(tile_expert, xg, rW1, rb1, rW2, rb2)
    yp = _sc_gather(y_pad, dst)
    out = _combine(partial, tvp, yp)
    return out[None]

# --- scband reference (transcript-rebuilt; emitter-appended) ---
"""Pipeline reference for scband-transformer-block-18313740550638 (READ-ONLY COPY).

The authoritative reference and input builder live on the scoring server;
editing this copy changes nothing except your own understanding.
"""

import jax, jax.numpy as jnp
import numpy as np

B, S = 1, 2048
H_DIM, NH, HD = 768, 12, 64
NUM_EXPERTS, NS = 16, 2
NR = NUM_EXPERTS - NS            # routed experts = 14
TOPK = 4 - NS                    # activated routed = 2
FFN_SCALE, EXPERT_SCALE = 4.0, 0.25
INTER = int(int(H_DIM * FFN_SCALE) * EXPERT_SCALE)  # 768


def setup_inputs(seed: int = 0) -> dict:
    key = jax.random.key(seed)
    ks = jax.random.split(key, 16)
    def nrm(k, shape, s=0.02):
        return jax.random.normal(k, shape, dtype=jnp.float32) * s
    inp = {
        "x": jax.random.normal(ks[0], (B, S, H_DIM), dtype=jnp.float32),
        "ln1_g": jnp.ones((H_DIM,), jnp.float32),
        "ln1_b": jnp.zeros((H_DIM,), jnp.float32),
        "ln2_g": jnp.ones((H_DIM,), jnp.float32),
        "ln2_b": jnp.zeros((H_DIM,), jnp.float32),
        "Wq": nrm(ks[1], (H_DIM, NH * HD)), "bq": jnp.zeros((NH * HD,), jnp.float32),
        "Wk": nrm(ks[2], (H_DIM, NH * HD)), "bk": jnp.zeros((NH * HD,), jnp.float32),
        "Wv": nrm(ks[3], (H_DIM, NH * HD)), "bv": jnp.zeros((NH * HD,), jnp.float32),
        "Wo": nrm(ks[4], (NH * HD, H_DIM)), "bo": jnp.zeros((H_DIM,), jnp.float32),
        "Wr": nrm(ks[5], (H_DIM, NR)), "br": jnp.zeros((NR,), jnp.float32),
        "sW1": nrm(ks[6], (NS, H_DIM, INTER)), "sb1": jnp.zeros((NS, INTER), jnp.float32),
        "sW2": nrm(ks[7], (NS, INTER, H_DIM)), "sb2": jnp.zeros((NS, H_DIM), jnp.float32),
        "rW1": nrm(ks[8], (NR, H_DIM, INTER)), "rb1": jnp.zeros((NR, INTER), jnp.float32),
        "rW2": nrm(ks[9], (NR, INTER, H_DIM)), "rb2": jnp.zeros((NR, H_DIM), jnp.float32),
    }
    return inp


def _layernorm(h, g, b):
    m = jnp.mean(h, axis=-1, keepdims=True)
    v = jnp.var(h, axis=-1, keepdims=True)
    return (h - m) / jnp.sqrt(v + 1e-5) * g + b


def reference(x, ln1_g, ln1_b, ln2_g, ln2_b, Wq, bq, Wk, bk, Wv, bv, Wo, bo,
              Wr, br, sW1, sb1, sW2, sb2, rW1, rb1, rW2, rb2):
    scale = 1.0 / np.sqrt(HD)

    def mha(h):
        q = (h @ Wq + bq).reshape(B, S, NH, HD).transpose(0, 2, 1, 3)
        k = (h @ Wk + bk).reshape(B, S, NH, HD).transpose(0, 2, 1, 3)
        v = (h @ Wv + bv).reshape(B, S, NH, HD).transpose(0, 2, 1, 3)
        scores = jnp.matmul(q, k.transpose(0, 1, 3, 2)) * scale
        attn = jax.nn.softmax(scores, axis=-1)
        ctx = jnp.matmul(attn, v).transpose(0, 2, 1, 3).reshape(B, S, NH * HD)
        return ctx @ Wo + bo

    def moe(h):
        # shared experts (always active)
        s_act = jax.nn.gelu(jnp.einsum('bsh,ehi->besi', h, sW1) + sb1[None, :, None, :], approximate=False)
        s_out = jnp.einsum('besi,eih->besh', s_act, sW2) + sb2[None, :, None, :]
        shared = jnp.sum(s_out, axis=1)
        # router + top-k gating with scatter of topk values into dense gate tensor
        logits = h @ Wr + br
        aff = jax.nn.softmax(logits, axis=-1)
        tv, ti = jax.lax.top_k(aff, TOPK)
        gates = jnp.sum(tv[..., None] * jax.nn.one_hot(ti, NR, dtype=h.dtype), axis=-2)  # (B,S,NR)
        # routed experts (dense over experts, matching torch loop)
        r_act = jax.nn.gelu(jnp.einsum('bsh,ehi->besi', h, rW1) + rb1[None, :, None, :], approximate=False)
        r_out = jnp.einsum('besi,eih->besh', r_act, rW2) + rb2[None, :, None, :]
        routed = jnp.einsum('bse,besh->bsh', gates, r_out)
        return shared + routed + h

    a = mha(_layernorm(x, ln1_g, ln1_b)) + x
    out = moe(_layernorm(a, ln2_g, ln2_b)) + a
    return out

if __name__ == "__main__":
    import jax
    _d = setup_inputs()
    print(jax.jit(kernel)(*tuple(_d.values())))

</pallas_src>

<mosaic_0001>
#map = affine_map<(d0, d1) -> (0, 0)>
#map1 = affine_map<(d0, d1) -> (0)>
module attributes {stable_mosaic.version = 14 : i64} {
  func.func @k(%arg0: i32, %arg1: i32, %arg2: memref<7680x768xf32, #tpu.memory_space<hbm>>, %arg3: memref<4096xi32, #tpu.memory_space<hbm>>, %arg4: memref<4096x768xf32, #tpu.memory_space<hbm>>, %arg5: memref<128xi32, #tpu.memory_space<vmem>>, %arg6: memref<128x768xf32, #tpu.memory_space<vmem>>, %arg7: memref<!tpu.dma_semaphore, #tpu.memory_space<semaphore_mem>>) attributes {dimension_semantics = [#tpu.dimension_semantics<core_parallel>, #tpu.dimension_semantics<subcore_parallel>], iteration_bounds = array<i64: 2, 16>, scalar_prefetch = 0 : i64, scratch_operands = 3 : i64, tpu.core_type = #tpu.core_type<sc_vector_subcore>, window_params = [{transform_indices = #map}, {transform_indices = #map1}, {transform_indices = #map}]} {
    %mul3A = arith.constant 2 : i32
    %mul3A_0 = arith.muli %arg1, %mul3A : i32
    %add3A = arith.addi %mul3A_0, %arg0 : i32
    %add3A_1 = arith.constant 0 : i32
    %add3A_2 = arith.addi %add3A, %add3A_1 : i32
    %lt3A = arith.constant 32 : i32
    %lt3A_3 = arith.cmpi slt, %add3A_2, %lt3A : i32
    %convert_element_type3A = arith.extui %lt3A_3 : i1 to i32
    %cond3A = arith.constant 0 : i32
    %cond3A_4 = arith.cmpi ne, %convert_element_type3A, %cond3A : i32
    scf.if %cond3A_4 {
      %mul3A_5 = arith.constant 128 : i32
      %mul3A_6 = arith.muli %add3A_2, %mul3A_5 : i32
      "tpu.region"() ({
        %run_scoped3A = tpu.sem_alloc : memref<!tpu.dma_semaphore, #tpu.memory_space<semaphore_mem>>
        %dma_start3A_11 = tpu.memref_slice %arg3[%mul3A_6] : memref<4096xi32, #tpu.memory_space<hbm>> -> memref<128xi32, #tpu.memory_space<hbm>>
        %dma_start3A_12 = tpu.memref_slice %arg3[%mul3A_6] : memref<4096xi32, #tpu.memory_space<hbm>> -> memref<128xi32, #tpu.memory_space<hbm>>
        tpu.enqueue_dma source(%dma_start3A_12 : memref<128xi32, #tpu.memory_space<hbm>>) target(%arg5 : memref<128xi32, #tpu.memory_space<vmem>>) target_semaphore(%run_scoped3A : memref<!tpu.dma_semaphore, #tpu.memory_space<semaphore_mem>>)
        %dma_wait3A_13 = tpu.memref_slice %arg3[%mul3A_6] : memref<4096xi32, #tpu.memory_space<hbm>> -> memref<128xi32, #tpu.memory_space<hbm>>
        %dma_wait3A_14 = tpu.memref_slice %arg3[%mul3A_6] : memref<4096xi32, #tpu.memory_space<hbm>> -> memref<128xi32, #tpu.memory_space<hbm>>
        tpu.wait_dma2 semaphore(%run_scoped3A : memref<!tpu.dma_semaphore, #tpu.memory_space<semaphore_mem>>) src(%dma_wait3A_14 : memref<128xi32, #tpu.memory_space<hbm>>) dst(%arg5 : memref<128xi32, #tpu.memory_space<vmem>>)
        tpu.yield
      }) : () -> ()
      %dma_start3A = arith.constant 0 : i32
      %dma_start3A_7 = arith.constant 0 : i32
      %dma_start3A_8 = tpu.memref_slice %arg2[%dma_start3A, %dma_start3A_7] : memref<7680x768xf32, #tpu.memory_space<hbm>> -> memref<7680x768xf32, #tpu.memory_space<hbm>>
      tpu.enqueue_indirect_dma source(%dma_start3A_8 : memref<7680x768xf32, #tpu.memory_space<hbm>>) target(%arg6 : memref<128x768xf32, #tpu.memory_space<vmem>>) offsets(%arg5 : memref<128xi32, #tpu.memory_space<vmem>>) semaphore(%arg7 : memref<!tpu.dma_semaphore, #tpu.memory_space<semaphore_mem>>)
      %dma_wait3A = arith.constant 0 : i32
      %dma_wait3A_9 = arith.constant 0 : i32
      %dma_wait3A_10 = tpu.memref_slice %arg2[%dma_wait3A, %dma_wait3A_9] : memref<7680x768xf32, #tpu.memory_space<hbm>> -> memref<7680x768xf32, #tpu.memory_space<hbm>>
      tpu.wait_indirect_dma semaphore(%arg7 : memref<!tpu.dma_semaphore, #tpu.memory_space<semaphore_mem>>) src(%dma_wait3A_10 : memref<7680x768xf32, #tpu.memory_space<hbm>>) dst(%arg6 : memref<128x768xf32, #tpu.memory_space<vmem>>)
      "tpu.region"() ({
        %run_scoped3A = tpu.sem_alloc : memref<!tpu.dma_semaphore, #tpu.memory_space<semaphore_mem>>
        %dma_start3A_11 = arith.constant 0 : i32
        %dma_start3A_12 = tpu.memref_slice %arg4[%mul3A_6, %dma_start3A_11] : memref<4096x768xf32, #tpu.memory_space<hbm>> -> memref<128x768xf32, #tpu.memory_space<hbm>>
        %dma_start3A_13 = arith.constant 0 : i32
        %dma_start3A_14 = tpu.memref_slice %arg4[%mul3A_6, %dma_start3A_13] : memref<4096x768xf32, #tpu.memory_space<hbm>> -> memref<128x768xf32, #tpu.memory_space<hbm>>
        tpu.enqueue_dma source(%arg6 : memref<128x768xf32, #tpu.memory_space<vmem>>) target(%dma_start3A_14 : memref<128x768xf32, #tpu.memory_space<hbm>>) target_semaphore(%run_scoped3A : memref<!tpu.dma_semaphore, #tpu.memory_space<semaphore_mem>>)
        %dma_wait3A_15 = arith.constant 0 : i32
        %dma_wait3A_16 = tpu.memref_slice %arg4[%mul3A_6, %dma_wait3A_15] : memref<4096x768xf32, #tpu.memory_space<hbm>> -> memref<128x768xf32, #tpu.memory_space<hbm>>
        %dma_wait3A_17 = arith.constant 0 : i32
        %dma_wait3A_18 = tpu.memref_slice %arg4[%mul3A_6, %dma_wait3A_17] : memref<4096x768xf32, #tpu.memory_space<hbm>> -> memref<128x768xf32, #tpu.memory_space<hbm>>
        tpu.wait_dma2 semaphore(%run_scoped3A : memref<!tpu.dma_semaphore, #tpu.memory_space<semaphore_mem>>) src(%arg6 : memref<128x768xf32, #tpu.memory_space<vmem>>) dst(%dma_wait3A_18 : memref<128x768xf32, #tpu.memory_space<hbm>>)
        tpu.yield
      }) : () -> ()
    } else {
    }
    return
  }
}

#map = affine_map<(d0, d1) -> (0, 0)>
#map1 = affine_map<(d0, d1) -> (0)>
module attributes {stable_mosaic.version = 14 : i64} {
  func.func @k(%arg0: i32, %arg1: i32, %arg2: memref<2048x768xf32, #tpu.memory_space<hbm>>, %arg3: memref<4096xi32, #tpu.memory_space<hbm>>, %arg4: memref<7680x768xf32, #tpu.memory_space<hbm>>, %arg5: memref<64xi32, #tpu.memory_space<vmem>>, %arg6: memref<64xi32, #tpu.memory_space<vmem>>, %arg7: memref<64x768xf32, #tpu.memory_space<vmem>>, %arg8: memref<!tpu.dma_semaphore, #tpu.memory_space<semaphore_mem>>, %arg9: memref<!tpu.dma_semaphore, #tpu.memory_space<semaphore_mem>>) attributes {dimension_semantics = [#tpu.dimension_semantics<core_parallel>, #tpu.dimension_semantics<subcore_parallel>], iteration_bounds = array<i64: 2, 16>, scalar_prefetch = 0 : i64, scratch_operands = 5 : i64, tpu.core_type = #tpu.core_type<sc_vector_subcore>, window_params = [{transform_indices = #map}, {transform_indices = #map1}, {transform_indices = #map}]} {
    %mul3A = arith.constant 2 : i32
    %mul3A_0 = arith.muli %arg1, %mul3A : i32
    %add3A = arith.addi %mul3A_0, %arg0 : i32
    %mul3A_1 = arith.constant 64 : i32
    %mul3A_2 = arith.muli %add3A, %mul3A_1 : i32
    %dma_start3A = tpu.memref_slice %arg3[%mul3A_2] : memref<4096xi32, #tpu.memory_space<hbm>> -> memref<64xi32, #tpu.memory_space<hbm>>
    %dma_start3A_3 = tpu.memref_slice %arg3[%mul3A_2] : memref<4096xi32, #tpu.memory_space<hbm>> -> memref<64xi32, #tpu.memory_space<hbm>>
    tpu.enqueue_dma source(%dma_start3A_3 : memref<64xi32, #tpu.memory_space<hbm>>) target(%arg5 : memref<64xi32, #tpu.memory_space<vmem>>) target_semaphore(%arg8 : memref<!tpu.dma_semaphore, #tpu.memory_space<semaphore_mem>>)
    %add3A_4 = arith.constant 2048 : i32
    %add3A_5 = arith.addi %add3A_4, %mul3A_2 : i32
    %dma_start3A_6 = tpu.memref_slice %arg3[%add3A_5] : memref<4096xi32, #tpu.memory_space<hbm>> -> memref<64xi32, #tpu.memory_space<hbm>>
    %dma_start3A_7 = tpu.memref_slice %arg3[%add3A_5] : memref<4096xi32, #tpu.memory_space<hbm>> -> memref<64xi32, #tpu.memory_space<hbm>>
    tpu.enqueue_dma source(%dma_start3A_7 : memref<64xi32, #tpu.memory_space<hbm>>) target(%arg6 : memref<64xi32, #tpu.memory_space<vmem>>) target_semaphore(%arg8 : memref<!tpu.dma_semaphore, #tpu.memory_space<semaphore_mem>>)
    %dma_start3A_8 = arith.constant 0 : i32
    %dma_start3A_9 = tpu.memref_slice %arg2[%mul3A_2, %dma_start3A_8] : memref<2048x768xf32, #tpu.memory_space<hbm>> -> memref<64x768xf32, #tpu.memory_space<hbm>>
    %dma_start3A_10 = arith.constant 0 : i32
    %dma_start3A_11 = tpu.memref_slice %arg2[%mul3A_2, %dma_start3A_10] : memref<2048x768xf32, #tpu.memory_space<hbm>> -> memref<64x768xf32, #tpu.memory_space<hbm>>
    tpu.enqueue_dma source(%dma_start3A_11 : memref<64x768xf32, #tpu.memory_space<hbm>>) target(%arg7 : memref<64x768xf32, #tpu.memory_space<vmem>>) target_semaphore(%arg8 : memref<!tpu.dma_semaphore, #tpu.memory_space<semaphore_mem>>)
    %dma_wait3A = tpu.memref_slice %arg3[%mul3A_2] : memref<4096xi32, #tpu.memory_space<hbm>> -> memref<64xi32, #tpu.memory_space<hbm>>
    %dma_wait3A_12 = tpu.memref_slice %arg3[%mul3A_2] : memref<4096xi32, #tpu.memory_space<hbm>> -> memref<64xi32, #tpu.memory_space<hbm>>
    tpu.wait_dma2 semaphore(%arg8 : memref<!tpu.dma_semaphore, #tpu.memory_space<semaphore_mem>>) src(%dma_wait3A_12 : memref<64xi32, #tpu.memory_space<hbm>>) dst(%arg5 : memref<64xi32, #tpu.memory_space<vmem>>)
    %dma_wait3A_13 = tpu.memref_slice %arg3[%add3A_5] : memref<4096xi32, #tpu.memory_space<hbm>> -> memref<64xi32, #tpu.memory_space<hbm>>
    %dma_wait3A_14 = tpu.memref_slice %arg3[%add3A_5] : memref<4096xi32, #tpu.memory_space<hbm>> -> memref<64xi32, #tpu.memory_space<hbm>>
    tpu.wait_dma2 semaphore(%arg8 : memref<!tpu.dma_semaphore, #tpu.memory_space<semaphore_mem>>) src(%dma_wait3A_14 : memref<64xi32, #tpu.memory_space<hbm>>) dst(%arg6 : memref<64xi32, #tpu.memory_space<vmem>>)
    %dma_wait3A_15 = arith.constant 0 : i32
    %dma_wait3A_16 = tpu.memref_slice %arg2[%mul3A_2, %dma_wait3A_15] : memref<2048x768xf32, #tpu.memory_space<hbm>> -> memref<64x768xf32, #tpu.memory_space<hbm>>
    %dma_wait3A_17 = arith.constant 0 : i32
    %dma_wait3A_18 = tpu.memref_slice %arg2[%mul3A_2, %dma_wait3A_17] : memref<2048x768xf32, #tpu.memory_space<hbm>> -> memref<64x768xf32, #tpu.memory_space<hbm>>
    tpu.wait_dma2 semaphore(%arg8 : memref<!tpu.dma_semaphore, #tpu.memory_space<semaphore_mem>>) src(%dma_wait3A_18 : memref<64x768xf32, #tpu.memory_space<hbm>>) dst(%arg7 : memref<64x768xf32, #tpu.memory_space<vmem>>)
    %dma_start3A_19 = arith.constant 0 : i32
    %dma_start3A_20 = arith.constant 0 : i32
    %dma_start3A_21 = tpu.memref_slice %arg4[%dma_start3A_19, %dma_start3A_20] : memref<7680x768xf32, #tpu.memory_space<hbm>> -> memref<7680x768xf32, #tpu.memory_space<hbm>>
    tpu.enqueue_indirect_dma source(%arg7 : memref<64x768xf32, #tpu.memory_space<vmem>>) target(%dma_start3A_21 : memref<7680x768xf32, #tpu.memory_space<hbm>>) offsets(%arg5 : memref<64xi32, #tpu.memory_space<vmem>>) semaphore(%arg9 : memref<!tpu.dma_semaphore, #tpu.memory_space<semaphore_mem>>)
    %dma_start3A_22 = arith.constant 0 : i32
    %dma_start3A_23 = arith.constant 0 : i32
    %dma_start3A_24 = tpu.memref_slice %arg4[%dma_start3A_22, %dma_start3A_23] : memref<7680x768xf32, #tpu.memory_space<hbm>> -> memref<7680x768xf32, #tpu.memory_space<hbm>>
    tpu.enqueue_indirect_dma source(%arg7 : memref<64x768xf32, #tpu.memory_space<vmem>>) target(%dma_start3A_24 : memref<7680x768xf32, #tpu.memory_space<hbm>>) offsets(%arg6 : memref<64xi32, #tpu.memory_space<vmem>>) semaphore(%arg9 : memref<!tpu.dma_semaphore, #tpu.memory_space<semaphore_mem>>)
    %dma_wait3A_25 = arith.constant 0 : i32
    %dma_wait3A_26 = arith.constant 0 : i32
    %dma_wait3A_27 = tpu.memref_slice %arg4[%dma_wait3A_25, %dma_wait3A_26] : memref<7680x768xf32, #tpu.memory_space<hbm>> -> memref<7680x768xf32, #tpu.memory_space<hbm>>
    tpu.wait_indirect_dma semaphore(%arg9 : memref<!tpu.dma_semaphore, #tpu.memory_space<semaphore_mem>>) src(%arg7 : memref<64x768xf32, #tpu.memory_space<vmem>>) dst(%dma_wait3A_27 : memref<7680x768xf32, #tpu.memory_space<hbm>>)
    %dma_wait3A_28 = arith.constant 0 : i32
    %dma_wait3A_29 = arith.constant 0 : i32
    %dma_wait3A_30 = tpu.memref_slice %arg4[%dma_wait3A_28, %dma_wait3A_29] : memref<7680x768xf32, #tpu.memory_space<hbm>> -> memref<7680x768xf32, #tpu.memory_space<hbm>>
    tpu.wait_indirect_dma semaphore(%arg9 : memref<!tpu.dma_semaphore, #tpu.memory_space<semaphore_mem>>) src(%arg7 : memref<64x768xf32, #tpu.memory_space<vmem>>) dst(%dma_wait3A_30 : memref<7680x768xf32, #tpu.memory_space<hbm>>)
    return
  }
}

module attributes {stable_mosaic.version = 14 : i64} {
  func.func @_ln_qkv_body(%arg0: i32, %arg1: memref<256x768xf32, #tpu.memory_space<vmem>>, %arg2: memref<1x768xf32, #tpu.memory_space<vmem>>, %arg3: memref<1x768xf32, #tpu.memory_space<vmem>>, %arg4: memref<768x768xf32, #tpu.memory_space<vmem>>, %arg5: memref<768x768xf32, #tpu.memory_space<vmem>>, %arg6: memref<768x768xf32, #tpu.memory_space<vmem>>, %arg7: memref<1x768xf32, #tpu.memory_space<vmem>>, %arg8: memref<1x768xf32, #tpu.memory_space<vmem>>, %arg9: memref<1x768xf32, #tpu.memory_space<vmem>>, %arg10: memref<256x2304xf32, #tpu.memory_space<vmem>>) attributes {dimension_semantics = [#tpu.dimension_semantics<arbitrary>], iteration_bounds = array<i64: 8>, scalar_prefetch = 0 : i64, scratch_operands = 0 : i64, tpu.core_type = #tpu.core_type<tc>, window_params = [{transform_indices = @transform_0, window_bounds = array<i64: 256, 768>}, {pipeline_mode = #tpu.pipeline_mode<synchronous>, transform_indices = @transform_1, window_bounds = array<i64: 1, 768>}, {pipeline_mode = #tpu.pipeline_mode<synchronous>, transform_indices = @transform_2, window_bounds = array<i64: 1, 768>}, {pipeline_mode = #tpu.pipeline_mode<synchronous>, transform_indices = @transform_3, window_bounds = array<i64: 768, 768>}, {pipeline_mode = #tpu.pipeline_mode<synchronous>, transform_indices = @transform_4, window_bounds = array<i64: 768, 768>}, {pipeline_mode = #tpu.pipeline_mode<synchronous>, transform_indices = @transform_5, window_bounds = array<i64: 768, 768>}, {pipeline_mode = #tpu.pipeline_mode<synchronous>, transform_indices = @transform_6, window_bounds = array<i64: 1, 768>}, {pipeline_mode = #tpu.pipeline_mode<synchronous>, transform_indices = @transform_7, window_bounds = array<i64: 1, 768>}, {pipeline_mode = #tpu.pipeline_mode<synchronous>, transform_indices = @transform_8, window_bounds = array<i64: 1, 768>}, {transform_indices = @transform_9, window_bounds = array<i64: 256, 2304>}]} {
    %get3A = arith.constant 0 : index
    %get3A_0 = arith.constant 0 : index
    %get3A_1 = vector.load %arg1[%get3A, %get3A_0] : memref<256x768xf32, #tpu.memory_space<vmem>>, vector<256x768xf32>
    %get3A_2 = arith.constant 0 : index
    %get3A_3 = arith.constant 0 : index
    %get3A_4 = vector.load %arg2[%get3A_2, %get3A_3] : memref<1x768xf32, #tpu.memory_space<vmem>>, vector<1x768xf32>
    %get3A_5 = arith.constant 0 : index
    %get3A_6 = arith.constant 0 : index
    %get3A_7 = vector.load %arg3[%get3A_5, %get3A_6] : memref<1x768xf32, #tpu.memory_space<vmem>>, vector<1x768xf32>
    %reduce_sum3A = arith.constant dense<0.000000e+00> : vector<256xf32>
    %reduce_sum3A_8 = vector.multi_reduction <add>, %get3A_1, %reduce_sum3A [1] : vector<256x768xf32> to vector<256xf32>
    %broadcast_in_dim3A = vector.shape_cast %reduce_sum3A_8 : vector<256xf32> to vector<256x1xf32>
    %div3A = arith.constant 7.680000e+02 : f32
    %div3A_9 = vector.broadcast %div3A : f32 to vector<256x1xf32>
    %div3A_10 = arith.divf %broadcast_in_dim3A, %div3A_9 : vector<256x1xf32>
    %sub3A = vector.broadcast %div3A_10 : vector<256x1xf32> to vector<256x768xf32>
    %sub3A_11 = arith.subf %get3A_1, %sub3A : vector<256x768xf32>
    %integer_pow3A = arith.mulf %sub3A_11, %sub3A_11 : vector<256x768xf32>
    %reduce_sum3A_12 = arith.constant dense<0.000000e+00> : vector<256xf32>
    %reduce_sum3A_13 = vector.multi_reduction <add>, %integer_pow3A, %reduce_sum3A_12 [1] : vector<256x768xf32> to vector<256xf32>
    %broadcast_in_dim3A_14 = vector.shape_cast %reduce_sum3A_13 : vector<256xf32> to vector<256x1xf32>
    %div3A_15 = arith.constant 7.680000e+02 : f32
    %div3A_16 = vector.broadcast %div3A_15 : f32 to vector<256x1xf32>
    %div3A_17 = arith.divf %broadcast_in_dim3A_14, %div3A_16 : vector<256x1xf32>
    %sub3A_18 = vector.broadcast %div3A_10 : vector<256x1xf32> to vector<256x768xf32>
    %sub3A_19 = arith.subf %get3A_1, %sub3A_18 : vector<256x768xf32>
    %add3A = arith.constant 9.99999974E-6 : f32
    %add3A_20 = vector.broadcast %add3A : f32 to vector<256x1xf32>
    %add3A_21 = arith.addf %div3A_17, %add3A_20 : vector<256x1xf32>
    %rsqrt3A = math.rsqrt %add3A_21 : vector<256x1xf32>
    %mul3A = vector.broadcast %rsqrt3A : vector<256x1xf32> to vector<256x768xf32>
    %mul3A_22 = arith.mulf %sub3A_19, %mul3A : vector<256x768xf32>
    %mul3A_23 = vector.broadcast %get3A_4 : vector<1x768xf32> to vector<256x768xf32>
    %mul3A_24 = arith.mulf %mul3A_22, %mul3A_23 : vector<256x768xf32>
    %add3A_25 = vector.broadcast %get3A_7 : vector<1x768xf32> to vector<256x768xf32>
    %add3A_26 = arith.addf %mul3A_24, %add3A_25 : vector<256x768xf32>
    %convert_element_type3A = arith.truncf %add3A_26 : vector<256x768xf32> to vector<256x768xbf16>
    %get3A_27 = arith.constant 0 : index
    %get3A_28 = arith.constant 0 : index
    %get3A_29 = vector.load %arg4[%get3A_27, %get3A_28] : memref<768x768xf32, #tpu.memory_space<vmem>>, vector<768x768xf32>
    %convert_element_type3A_30 = arith.truncf %get3A_29 : vector<768x768xf32> to vector<768x768xbf16>
    %dot_general3A = arith.constant dense<0.000000e+00> : vector<256x768xf32>
    %dot_general3A_31 = tpu.matmul %convert_element_type3A, %convert_element_type3A_30, %dot_general3A {dimension_numbers = #tpu.dot_dimension_numbers<[1], [0], [0], [1], [0, 0, 1, 1], [], []>, transpose_lhs_hint = false} : vector<256x768xbf16>, vector<768x768xbf16>, vector<256x768xf32> -> vector<256x768xf32>
    %get3A_32 = arith.constant 0 : index
    %get3A_33 = arith.constant 0 : index
    %get3A_34 = vector.load %arg7[%get3A_32, %get3A_33] : memref<1x768xf32, #tpu.memory_space<vmem>>, vector<1x768xf32>
    %add3A_35 = vector.broadcast %get3A_34 : vector<1x768xf32> to vector<256x768xf32>
    %add3A_36 = arith.addf %dot_general3A_31, %add3A_35 : vector<256x768xf32>
    %swap3A = arith.constant 0 : index
    %swap3A_37 = arith.constant 0 : index
    %swap3A_38 = vector.load %arg10[%swap3A, %swap3A_37] : memref<256x2304xf32, #tpu.memory_space<vmem>>, vector<256x768xf32>
    tpu.vector_store %arg10[%swap3A, %swap3A_37], %add3A_36 {strides = array<i32>} : memref<256x2304xf32, #tpu.memory_space<vmem>>, vector<256x768xf32>,
    %get3A_39 = arith.constant 0 : index
    %get3A_40 = arith.constant 0 : index
    %get3A_41 = vector.load %arg5[%get3A_39, %get3A_40] : memref<768x768xf32, #tpu.memory_space<vmem>>, vector<768x768xf32>
    %convert_element_type3A_42 = arith.truncf %get3A_41 : vector<768x768xf32> to vector<768x768xbf16>
    %dot_general3A_43 = arith.constant dense<0.000000e+00> : vector<256x768xf32>
    %dot_general3A_44 = tpu.matmul %convert_element_type3A, %convert_element_type3A_42, %dot_general3A_43 {dimension_numbers = #tpu.dot_dimension_numbers<[1], [0], [0], [1], [0, 0, 1, 1], [], []>, transpose_lhs_hint = false} : vector<256x768xbf16>, vector<768x768xbf16>, vector<256x768xf32> -> vector<256x768xf32>
    %get3A_45 = arith.constant 0 : index
    %get3A_46 = arith.constant 0 : index
    %get3A_47 = vector.load %arg8[%get3A_45, %get3A_46] : memref<1x768xf32, #tpu.memory_space<vmem>>, vector<1x768xf32>
    %add3A_48 = vector.broadcast %get3A_47 : vector<1x768xf32> to vector<256x768xf32>
    %add3A_49 = arith.addf %dot_general3A_44, %add3A_48 : vector<256x768xf32>
    %swap3A_50 = arith.constant 0 : index
    %swap3A_51 = arith.constant 768 : index
    %swap3A_52 = vector.load %arg10[%swap3A_50, %swap3A_51] : memref<256x2304xf32, #tpu.memory_space<vmem>>, vector<256x768xf32>
    tpu.vector_store %arg10[%swap3A_50, %swap3A_51], %add3A_49 {strides = array<i32>} : memref<256x2304xf32, #tpu.memory_space<vmem>>, vector<256x768xf32>,
    %get3A_53 = arith.constant 0 : index
    %get3A_54 = arith.constant 0 : index
    %get3A_55 = vector.load %arg6[%get3A_53, %get3A_54] : memref<768x768xf32, #tpu.memory_space<vmem>>, vector<768x768xf32>
    %convert_element_type3A_56 = arith.truncf %get3A_55 : vector<768x768xf32> to vector<768x768xbf16>
    %dot_general3A_57 = arith.constant dense<0.000000e+00> : vector<256x768xf32>
    %dot_general3A_58 = tpu.matmul %convert_element_type3A, %convert_element_type3A_56, %dot_general3A_57 {dimension_numbers = #tpu.dot_dimension_numbers<[1], [0], [0], [1], [0, 0, 1, 1], [], []>, transpose_lhs_hint = false} : vector<256x768xbf16>, vector<768x768xbf16>, vector<256x768xf32> -> vector<256x768xf32>
    %get3A_59 = arith.constant 0 : index
    %get3A_60 = arith.constant 0 : index
    %get3A_61 = vector.load %arg9[%get3A_59, %get3A_60] : memref<1x768xf32, #tpu.memory_space<vmem>>, vector<1x768xf32>
    %add3A_62 = vector.broadcast %get3A_61 : vector<1x768xf32> to vector<256x768xf32>
    %add3A_63 = arith.addf %dot_general3A_58, %add3A_62 : vector<256x768xf32>
    %swap3A_64 = arith.constant 0 : index
    %swap3A_65 = arith.constant 1536 : index
    %swap3A_66 = vector.load %arg10[%swap3A_64, %swap3A_65] : memref<256x2304xf32, #tpu.memory_space<vmem>>, vector<256x768xf32>
    tpu.vector_store %arg10[%swap3A_64, %swap3A_65], %add3A_63 {strides = array<i32>} : memref<256x2304xf32, #tpu.memory_space<vmem>>, vector<256x768xf32>,
    return
  }
  func.func @transform_0(%arg0: i32) -> (i32, i32) {
    %c0_i32 = arith.constant 0 : i32
    %c0_i32_0 = arith.constant 0 : i32
    return %arg0, %c0_i32 : i32, i32
  }
  func.func @transform_1(%arg0: i32) -> (i32, i32) {
    %c0_i32 = arith.constant 0 : i32
    %c0_i32_0 = arith.constant 0 : i32
    %c0_i32_1 = arith.constant 0 : i32
    return %c0_i32, %c0_i32_0 : i32, i32
  }
  func.func @transform_2(%arg0: i32) -> (i32, i32) {
    %c0_i32 = arith.constant 0 : i32
    %c0_i32_0 = arith.constant 0 : i32
    %c0_i32_1 = arith.constant 0 : i32
    return %c0_i32, %c0_i32_0 : i32, i32
  }
  func.func @transform_3(%arg0: i32) -> (i32, i32) {
    %c0_i32 = arith.constant 0 : i32
    %c0_i32_0 = arith.constant 0 : i32
    %c0_i32_1 = arith.constant 0 : i32
    return %c0_i32, %c0_i32_0 : i32, i32
  }
  func.func @transform_4(%arg0: i32) -> (i32, i32) {
    %c0_i32 = arith.constant 0 : i32
    %c0_i32_0 = arith.constant 0 : i32
    %c0_i32_1 = arith.constant 0 : i32
    return %c0_i32, %c0_i32_0 : i32, i32
  }
  func.func @transform_5(%arg0: i32) -> (i32, i32) {
    %c0_i32 = arith.constant 0 : i32
    %c0_i32_0 = arith.constant 0 : i32
    %c0_i32_1 = arith.constant 0 : i32
    return %c0_i32, %c0_i32_0 : i32, i32
  }
  func.func @transform_6(%arg0: i32) -> (i32, i32) {
    %c0_i32 = arith.constant 0 : i32
    %c0_i32_0 = arith.constant 0 : i32
    %c0_i32_1 = arith.constant 0 : i32
    return %c0_i32, %c0_i32_0 : i32, i32
  }
  func.func @transform_7(%arg0: i32) -> (i32, i32) {
    %c0_i32 = arith.constant 0 : i32
    %c0_i32_0 = arith.constant 0 : i32
    %c0_i32_1 = arith.constant 0 : i32
    return %c0_i32, %c0_i32_0 : i32, i32
  }
  func.func @transform_8(%arg0: i32) -> (i32, i32) {
    %c0_i32 = arith.constant 0 : i32
    %c0_i32_0 = arith.constant 0 : i32
    %c0_i32_1 = arith.constant 0 : i32
    return %c0_i32, %c0_i32_0 : i32, i32
  }
  func.func @transform_9(%arg0: i32) -> (i32, i32) {
    %c0_i32 = arith.constant 0 : i32
    %c0_i32_0 = arith.constant 0 : i32
    return %arg0, %c0_i32 : i32, i32
  }
}

module attributes {stable_mosaic.version = 14 : i64} {
  func.func @_attn_body(%arg0: i32, %arg1: memref<512x768xf32, #tpu.memory_space<vmem>>, %arg2: memref<2048x768xf32, #tpu.memory_space<vmem>>, %arg3: memref<2048x768xf32, #tpu.memory_space<vmem>>, %arg4: memref<512x768xf32, #tpu.memory_space<vmem>>) attributes {dimension_semantics = [#tpu.dimension_semantics<arbitrary>], iteration_bounds = array<i64: 4>, scalar_prefetch = 0 : i64, scratch_operands = 0 : i64, tpu.core_type = #tpu.core_type<tc>, window_params = [{transform_indices = @transform_0, window_bounds = array<i64: 512, 768>}, {transform_indices = @transform_1, window_bounds = array<i64: 2048, 768>}, {transform_indices = @transform_2, window_bounds = array<i64: 2048, 768>}, {transform_indices = @transform_3, window_bounds = array<i64: 512, 768>}]} {
    %get3A = arith.constant 0 : index
    %get3A_0 = arith.constant 0 : index
    %get3A_1 = vector.load %arg1[%get3A, %get3A_0] : memref<512x768xf32, #tpu.memory_space<vmem>>, vector<512x768xf32>
    %convert_element_type3A = arith.truncf %get3A_1 : vector<512x768xf32> to vector<512x768xbf16>
    %get3A_2 = arith.constant 0 : index
    %get3A_3 = arith.constant 0 : index
    %get3A_4 = vector.load %arg2[%get3A_2, %get3A_3] : memref<2048x768xf32, #tpu.memory_space<vmem>>, vector<2048x768xf32>
    %convert_element_type3A_5 = arith.truncf %get3A_4 : vector<2048x768xf32> to vector<2048x768xbf16>
    %get3A_6 = arith.constant 0 : index
    %get3A_7 = arith.constant 0 : index
    %get3A_8 = vector.load %arg3[%get3A_6, %get3A_7] : memref<2048x768xf32, #tpu.memory_space<vmem>>, vector<2048x768xf32>
    %convert_element_type3A_9 = arith.truncf %get3A_8 : vector<2048x768xf32> to vector<2048x768xbf16>
    %slice3A = vector.extract_strided_slice %convert_element_type3A {offsets = [0, 0], sizes = [512, 64], strides = [1, 1]} : vector<512x768xbf16> to vector<512x64xbf16>
    %slice3A_10 = vector.extract_strided_slice %convert_element_type3A_5 {offsets = [0, 0], sizes = [2048, 64], strides = [1, 1]} : vector<2048x768xbf16> to vector<2048x64xbf16>
    %dot_general3A = arith.constant dense<0.000000e+00> : vector<512x2048xf32>
    %dot_general3A_11 = tpu.matmul %slice3A, %slice3A_10, %dot_general3A {dimension_numbers = #tpu.dot_dimension_numbers<[1], [1], [0], [0], [0, 0, 1, 0], [], []>, transpose_lhs_hint = false} : vector<512x64xbf16>, vector<2048x64xbf16>, vector<512x2048xf32> -> vector<512x2048xf32>
    %mul3A = arith.constant 1.250000e-01 : f32
    %mul3A_12 = vector.broadcast %mul3A : f32 to vector<512x2048xf32>
    %mul3A_13 = arith.mulf %dot_general3A_11, %mul3A_12 : vector<512x2048xf32>
    %exp3A = math.exp %mul3A_13 : vector<512x2048xf32>
    %reduce_sum3A = arith.constant dense<0.000000e+00> : vector<512xf32>
    %reduce_sum3A_14 = vector.multi_reduction <add>, %exp3A, %reduce_sum3A [1] : vector<512x2048xf32> to vector<512xf32>
    %broadcast_in_dim3A = vector.shape_cast %reduce_sum3A_14 : vector<512xf32> to vector<512x1xf32>
    %convert_element_type3A_15 = arith.truncf %exp3A : vector<512x2048xf32> to vector<512x2048xbf16>
    %slice3A_16 = vector.extract_strided_slice %convert_element_type3A_9 {offsets = [0, 0], sizes = [2048, 64], strides = [1, 1]} : vector<2048x768xbf16> to vector<2048x64xbf16>
    %dot_general3A_17 = arith.constant dense<0.000000e+00> : vector<512x64xf32>
    %dot_general3A_18 = tpu.matmul %convert_element_type3A_15, %slice3A_16, %dot_general3A_17 {dimension_numbers = #tpu.dot_dimension_numbers<[1], [0], [0], [1], [0, 0, 1, 1], [], []>, transpose_lhs_hint = false} : vector<512x2048xbf16>, vector<2048x64xbf16>, vector<512x64xf32> -> vector<512x64xf32>
    %div3A = arith.constant 1.000000e+00 : f32
    %div3A_19 = vector.broadcast %div3A : f32 to vector<512x1xf32>
    %div3A_20 = arith.divf %div3A_19, %broadcast_in_dim3A : vector<512x1xf32>
    %mul3A_21 = vector.broadcast %div3A_20 : vector<512x1xf32> to vector<512x64xf32>
    %mul3A_22 = arith.mulf %dot_general3A_18, %mul3A_21 : vector<512x64xf32>
    %swap3A = arith.constant 0 : index
    %swap3A_23 = arith.constant 0 : index
    %swap3A_24 = vector.load %arg4[%swap3A, %swap3A_23] : memref<512x768xf32, #tpu.memory_space<vmem>>, vector<512x64xf32>
    tpu.vector_store %arg4[%swap3A, %swap3A_23], %mul3A_22 {strides = array<i32>} : memref<512x768xf32, #tpu.memory_space<vmem>>, vector<512x64xf32>,
    %slice3A_25 = vector.extract_strided_slice %convert_element_type3A {offsets = [0, 64], sizes = [512, 64], strides = [1, 1]} : vector<512x768xbf16> to vector<512x64xbf16>
    %slice3A_26 = vector.extract_strided_slice %convert_element_type3A_5 {offsets = [0, 64], sizes = [2048, 64], strides = [1, 1]} : vector<2048x768xbf16> to vector<2048x64xbf16>
    %dot_general3A_27 = arith.constant dense<0.000000e+00> : vector<512x2048xf32>
    %dot_general3A_28 = tpu.matmul %slice3A_25, %slice3A_26, %dot_general3A_27 {dimension_numbers = #tpu.dot_dimension_numbers<[1], [1], [0], [0], [0, 0, 1, 0], [], []>, transpose_lhs_hint = false} : vector<512x64xbf16>, vector<2048x64xbf16>, vector<512x2048xf32> -> vector<512x2048xf32>
    %mul3A_29 = arith.constant 1.250000e-01 : f32
    %mul3A_30 = vector.broadcast %mul3A_29 : f32 to vector<512x2048xf32>
    %mul3A_31 = arith.mulf %dot_general3A_28, %mul3A_30 : vector<512x2048xf32>
    %exp3A_32 = math.exp %mul3A_31 : vector<512x2048xf32>
    %reduce_sum3A_33 = arith.constant dense<0.000000e+00> : vector<512xf32>
    %reduce_sum3A_34 = vector.multi_reduction <add>, %exp3A_32, %reduce_sum3A_33 [1] : vector<512x2048xf32> to vector<512xf32>
    %broadcast_in_dim3A_35 = vector.shape_cast %reduce_sum3A_34 : vector<512xf32> to vector<512x1xf32>
    %convert_element_type3A_36 = arith.truncf %exp3A_32 : vector<512x2048xf32> to vector<512x2048xbf16>
    %slice3A_37 = vector.extract_strided_slice %convert_element_type3A_9 {offsets = [0, 64], sizes = [2048, 64], strides = [1, 1]} : vector<2048x768xbf16> to vector<2048x64xbf16>
    %dot_general3A_38 = arith.constant dense<0.000000e+00> : vector<512x64xf32>
    %dot_general3A_39 = tpu.matmul %convert_element_type3A_36, %slice3A_37, %dot_general3A_38 {dimension_numbers = #tpu.dot_dimension_numbers<[1], [0], [0], [1], [0, 0, 1, 1], [], []>, transpose_lhs_hint = false} : vector<512x2048xbf16>, vector<2048x64xbf16>, vector<512x64xf32> -> vector<512x64xf32>
    %div3A_40 = arith.constant 1.000000e+00 : f32
    %div3A_41 = vector.broadcast %div3A_40 : f32 to vector<512x1xf32>
    %div3A_42 = arith.divf %div3A_41, %broadcast_in_dim3A_35 : vector<512x1xf32>
    %mul3A_43 = vector.broadcast %div3A_42 : vector<512x1xf32> to vector<512x64xf32>
    %mul3A_44 = arith.mulf %dot_general3A_39, %mul3A_43 : vector<512x64xf32>
    %swap3A_45 = arith.constant 0 : index
    %swap3A_46 = arith.constant 64 : index
    %swap3A_47 = vector.load %arg4[%swap3A_45, %swap3A_46] : memref<512x768xf32, #tpu.memory_space<vmem>>, vector<512x64xf32>
    tpu.vector_store %arg4[%swap3A_45, %swap3A_46], %mul3A_44 {strides = array<i32>} : memref<512x768xf32, #tpu.memory_space<vmem>>, vector<512x64xf32>,
    %slice3A_48 = vector.extract_strided_slice %convert_element_type3A {offsets = [0, 128], sizes = [512, 64], strides = [1, 1]} : vector<512x768xbf16> to vector<512x64xbf16>
    %slice3A_49 = vector.extract_strided_slice %convert_element_type3A_5 {offsets = [0, 128], sizes = [2048, 64], strides = [1, 1]} : vector<2048x768xbf16> to vector<2048x64xbf16>
    %dot_general3A_50 = arith.constant dense<0.000000e+00> : vector<512x2048xf32>
    %dot_general3A_51 = tpu.matmul %slice3A_48, %slice3A_49, %dot_general3A_50 {dimension_numbers = #tpu.dot_dimension_numbers<[1], [1], [0], [0], [0, 0, 1, 0], [], []>, transpose_lhs_hint = false} : vector<512x64xbf16>, vector<2048x64xbf16>, vector<512x2048xf32> -> vector<512x2048xf32>
    %mul3A_52 = arith.constant 1.250000e-01 : f32
    %mul3A_53 = vector.broadcast %mul3A_52 : f32 to vector<512x2048xf32>
    %mul3A_54 = arith.mulf %dot_general3A_51, %mul3A_53 : vector<512x2048xf32>
    %exp3A_55 = math.exp %mul3A_54 : vector<512x2048xf32>
    %reduce_sum3A_56 = arith.constant dense<0.000000e+00> : vector<512xf32>
    %reduce_sum3A_57 = vector.multi_reduction <add>, %exp3A_55, %reduce_sum3A_56 [1] : vector<512x2048xf32> to vector<512xf32>
    %broadcast_in_dim3A_58 = vector.shape_cast %reduce_sum3A_57 : vector<512xf32> to vector<512x1xf32>
    %convert_element_type3A_59 = arith.truncf %exp3A_55 : vector<512x2048xf32> to vector<512x2048xbf16>
    %slice3A_60 = vector.extract_strided_slice %convert_element_type3A_9 {offsets = [0, 128], sizes = [2048, 64], strides = [1, 1]} : vector<2048x768xbf16> to vector<2048x64xbf16>
    %dot_general3A_61 = arith.constant dense<0.000000e+00> : vector<512x64xf32>
    %dot_general3A_62 = tpu.matmul %convert_element_type3A_59, %slice3A_60, %dot_general3A_61 {dimension_numbers = #tpu.dot_dimension_numbers<[1], [0], [0], [1], [0, 0, 1, 1], [], []>, transpose_lhs_hint = false} : vector<512x2048xbf16>, vector<2048x64xbf16>, vector<512x64xf32> -> vector<512x64xf32>
    %div3A_63 = arith.constant 1.000000e+00 : f32
    %div3A_64 = vector.broadcast %div3A_63 : f32 to vector<512x1xf32>
    %div3A_65 = arith.divf %div3A_64, %broadcast_in_dim3A_58 : vector<512x1xf32>
    %mul3A_66 = vector.broadcast %div3A_65 : vector<512x1xf32> to vector<512x64xf32>
    %mul3A_67 = arith.mulf %dot_general3A_62, %mul3A_66 : vector<512x64xf32>
    %swap3A_68 = arith.constant 0 : index
    %swap3A_69 = arith.constant 128 : index
    %swap3A_70 = vector.load %arg4[%swap3A_68, %swap3A_69] : memref<512x768xf32, #tpu.memory_space<vmem>>, vector<512x64xf32>
    tpu.vector_store %arg4[%swap3A_68, %swap3A_69], %mul3A_67 {strides = array<i32>} : memref<512x768xf32, #tpu.memory_space<vmem>>, vector<512x64xf32>,
    %slice3A_71 = vector.extract_strided_slice %convert_element_type3A {offsets = [0, 192], sizes = [512, 64], strides = [1, 1]} : vector<512x768xbf16> to vector<512x64xbf16>
    %slice3A_72 = vector.extract_strided_slice %convert_element_type3A_5 {offsets = [0, 192], sizes = [2048, 64], strides = [1, 1]} : vector<2048x768xbf16> to vector<2048x64xbf16>
    %dot_general3A_73 = arith.constant dense<0.000000e+00> : vector<512x2048xf32>
    %dot_general3A_74 = tpu.matmul %slice3A_71, %slice3A_72, %dot_general3A_73 {dimension_numbers = #tpu.dot_dimension_numbers<[1], [1], [0], [0], [0, 0, 1, 0], [], []>, transpose_lhs_hint = false} : vector<512x64xbf16>, vector<2048x64xbf16>, vector<512x2048xf32> -> vector<512x2048xf32>
    %mul3A_75 = arith.constant 1.250000e-01 : f32
    %mul3A_76 = vector.broadcast %mul3A_75 : f32 to vector<512x2048xf32>
    %mul3A_77 = arith.mulf %dot_general3A_74, %mul3A_76 : vector<512x2048xf32>
    %exp3A_78 = math.exp %mul3A_77 : vector<512x2048xf32>
    %reduce_sum3A_79 = arith.constant dense<0.000000e+00> : vector<512xf32>
    %reduce_sum3A_80 = vector.multi_reduction <add>, %exp3A_78, %reduce_sum3A_79 [1] : vector<512x2048xf32> to vector<512xf32>
    %broadcast_in_dim3A_81 = vector.shape_cast %reduce_sum3A_80 : vector<512xf32> to vector<512x1xf32>
    %convert_element_type3A_82 = arith.truncf %exp3A_78 : vector<512x2048xf32> to vector<512x2048xbf16>
    %slice3A_83 = vector.extract_strided_slice %convert_element_type3A_9 {offsets = [0, 192], sizes = [2048, 64], strides = [1, 1]} : vector<2048x768xbf16> to vector<2048x64xbf16>
    %dot_general3A_84 = arith.constant dense<0.000000e+00> : vector<512x64xf32>
    %dot_general3A_85 = tpu.matmul %convert_element_type3A_82, %slice3A_83, %dot_general3A_84 {dimension_numbers = #tpu.dot_dimension_numbers<[1], [0], [0], [1], [0, 0, 1, 1], [], []>, transpose_lhs_hint = false} : vector<512x2048xbf16>, vector<2048x64xbf16>, vector<512x64xf32> -> vector<512x64xf32>
    %div3A_86 = arith.constant 1.000000e+00 : f32
    %div3A_87 = vector.broadcast %div3A_86 : f32 to vector<512x1xf32>
    %div3A_88 = arith.divf %div3A_87, %broadcast_in_dim3A_81 : vector<512x1xf32>
    %mul3A_89 = vector.broadcast %div3A_88 : vector<512x1xf32> to vector<512x64xf32>
    %mul3A_90 = arith.mulf %dot_general3A_85, %mul3A_89 : vector<512x64xf32>
    %swap3A_91 = arith.constant 0 : index
    %swap3A_92 = arith.constant 192 : index
    %swap3A_93 = vector.load %arg4[%swap3A_91, %swap3A_92] : memref<512x768xf32, #tpu.memory_space<vmem>>, vector<512x64xf32>
    tpu.vector_store %arg4[%swap3A_91, %swap3A_92], %mul3A_90 {strides = array<i32>} : memref<512x768xf32, #tpu.memory_space<vmem>>, vector<512x64xf32>,
    %slice3A_94 = vector.extract_strided_slice %convert_element_type3A {offsets = [0, 256], sizes = [512, 64], strides = [1, 1]} : vector<512x768xbf16> to vector<512x64xbf16>
    %slice3A_95 = vector.extract_strided_slice %convert_element_type3A_5 {offsets = [0, 256], sizes = [2048, 64], strides = [1, 1]} : vector<2048x768xbf16> to vector<2048x64xbf16>
    %dot_general3A_96 = arith.constant dense<0.000000e+00> : vector<512x2048xf32>
    %dot_general3A_97 = tpu.matmul %slice3A_94, %slice3A_95, %dot_general3A_96 {dimension_numbers = #tpu.dot_dimension_numbers<[1], [1], [0], [0], [0, 0, 1, 0], [], []>, transpose_lhs_hint = false} : vector<512x64xbf16>, vector<2048x64xbf16>, vector<512x2048xf32> -> vector<512x2048xf32>
    %mul3A_98 = arith.constant 1.250000e-01 : f32
    %mul3A_99 = vector.broadcast %mul3A_98 : f32 to vector<512x2048xf32>
    %mul3A_100 = arith.mulf %dot_general3A_97, %mul3A_99 : vector<512x2048xf32>
    %exp3A_101 = math.exp %mul3A_100 : vector<512x2048xf32>
    %reduce_sum3A_102 = arith.constant dense<0.000000e+00> : vector<512xf32>
    %reduce_sum3A_103 = vector.multi_reduction <add>, %exp3A_101, %reduce_sum3A_102 [1] : vector<512x2048xf32> to vector<512xf32>
    %broadcast_in_dim3A_104 = vector.shape_cast %reduce_sum3A_103 : vector<512xf32> to vector<512x1xf32>
    %convert_element_type3A_105 = arith.truncf %exp3A_101 : vector<512x2048xf32> to vector<512x2048xbf16>
    %slice3A_106 = vector.extract_strided_slice %convert_element_type3A_9 {offsets = [0, 256], sizes = [2048, 64], strides = [1, 1]} : vector<2048x768xbf16> to vector<2048x64xbf16>
    %dot_general3A_107 = arith.constant dense<0.000000e+00> : vector<512x64xf32>
    %dot_general3A_108 = tpu.matmul %convert_element_type3A_105, %slice3A_106, %dot_general3A_107 {dimension_numbers = #tpu.dot_dimension_numbers<[1], [0], [0], [1], [0, 0, 1, 1], [], []>, transpose_lhs_hint = false} : vector<512x2048xbf16>, vector<2048x64xbf16>, vector<512x64xf32> -> vector<512x64xf32>
    %div3A_109 = arith.constant 1.000000e+00 : f32
    %div3A_110 = vector.broadcast %div3A_109 : f32 to vector<512x1xf32>
    %div3A_111 = arith.divf %div3A_110, %broadcast_in_dim3A_104 : vector<512x1xf32>
    %mul3A_112 = vector.broadcast %div3A_111 : vector<512x1xf32> to vector<512x64xf32>
    %mul3A_113 = arith.mulf %dot_general3A_108, %mul3A_112 : vector<512x64xf32>
    %swap3A_114 = arith.constant 0 : index
    %swap3A_115 = arith.constant 256 : index
    %swap3A_116 = vector.load %arg4[%swap3A_114, %swap3A_115] : memref<512x768xf32, #tpu.memory_space<vmem>>, vector<512x64xf32>
    tpu.vector_store %arg4[%swap3A_114, %swap3A_115], %mul3A_113 {strides = array<i32>} : memref<512x768xf32, #tpu.memory_space<vmem>>, vector<512x64xf32>,
    %slice3A_117 = vector.extract_strided_slice %convert_element_type3A {offsets = [0, 320], sizes = [512, 64], strides = [1, 1]} : vector<512x768xbf16> to vector<512x64xbf16>
    %slice3A_118 = vector.extract_strided_slice %convert_element_type3A_5 {offsets = [0, 320], sizes = [2048, 64], strides = [1, 1]} : vector<2048x768xbf16> to vector<2048x64xbf16>
    %dot_general3A_119 = arith.constant dense<0.000000e+00> : vector<512x2048xf32>
    %dot_general3A_120 = tpu.matmul %slice3A_117, %slice3A_118, %dot_general3A_119 {dimension_numbers = #tpu.dot_dimension_numbers<[1], [1], [0], [0], [0, 0, 1, 0], [], []>, transpose_lhs_hint = false} : vector<512x64xbf16>, vector<2048x64xbf16>, vector<512x2048xf32> -> vector<512x2048xf32>
    %mul3A_121 = arith.constant 1.250000e-01 : f32
    %mul3A_122 = vector.broadcast %mul3A_121 : f32 to vector<512x2048xf32>
    %mul3A_123 = arith.mulf %dot_general3A_120, %mul3A_122 : vector<512x2048xf32>
    %exp3A_124 = math.exp %mul3A_123 : vector<512x2048xf32>
    %reduce_sum3A_125 = arith.constant dense<0.000000e+00> : vector<512xf32>
    %reduce_sum3A_126 = vector.multi_reduction <add>, %exp3A_124, %reduce_sum3A_125 [1] : vector<512x2048xf32> to vector<512xf32>
    %broadcast_in_dim3A_127 = vector.shape_cast %reduce_sum3A_126 : vector<512xf32> to vector<512x1xf32>
    %convert_element_type3A_128 = arith.truncf %exp3A_124 : vector<512x2048xf32> to vector<512x2048xbf16>
    %slice3A_129 = vector.extract_strided_slice %convert_element_type3A_9 {offsets = [0, 320], sizes = [2048, 64], strides = [1, 1]} : vector<2048x768xbf16> to vector<2048x64xbf16>
    %dot_general3A_130 = arith.constant dense<0.000000e+00> : vector<512x64xf32>
    %dot_general3A_131 = tpu.matmul %convert_element_type3A_128, %slice3A_129, %dot_general3A_130 {dimension_numbers = #tpu.dot_dimension_numbers<[1], [0], [0], [1], [0, 0, 1, 1], [], []>, transpose_lhs_hint = false} : vector<512x2048xbf16>, vector<2048x64xbf16>, vector<512x64xf32> -> vector<512x64xf32>
    %div3A_132 = arith.constant 1.000000e+00 : f32
    %div3A_133 = vector.broadcast %div3A_132 : f32 to vector<512x1xf32>
    %div3A_134 = arith.divf %div3A_133, %broadcast_in_dim3A_127 : vector<512x1xf32>
    %mul3A_135 = vector.broadcast %div3A_134 : vector<512x1xf32> to vector<512x64xf32>
    %mul3A_136 = arith.mulf %dot_general3A_131, %mul3A_135 : vector<512x64xf32>
    %swap3A_137 = arith.constant 0 : index
    %swap3A_138 = arith.constant 320 : index
    %swap3A_139 = vector.load %arg4[%swap3A_137, %swap3A_138] : memref<512x768xf32, #tpu.memory_space<vmem>>, vector<512x64xf32>
    tpu.vector_store %arg4[%swap3A_137, %swap3A_138], %mul3A_136 {strides = array<i32>} : memref<512x768xf32, #tpu.memory_space<vmem>>, vector<512x64xf32>,
    %slice3A_140 = vector.extract_strided_slice %convert_element_type3A {offsets = [0, 384], sizes = [512, 64], strides = [1, 1]} : vector<512x768xbf16> to vector<512x64xbf16>
    %slice3A_141 = vector.extract_strided_slice %convert_element_type3A_5 {offsets = [0, 384], sizes = [2048, 64], strides = [1, 1]} : vector<2048x768xbf16> to vector<2048x64xbf16>
    %dot_general3A_142 = arith.constant dense<0.000000e+00> : vector<512x2048xf32>
    %dot_general3A_143 = tpu.matmul %slice3A_140, %slice3A_141, %dot_general3A_142 {dimension_numbers = #tpu.dot_dimension_numbers<[1], [1], [0], [0], [0, 0, 1, 0], [], []>, transpose_lhs_hint = false} : vector<512x64xbf16>, vector<2048x64xbf16>, vector<512x2048xf32> -> vector<512x2048xf32>
    %mul3A_144 = arith.constant 1.250000e-01 : f32
    %mul3A_145 = vector.broadcast %mul3A_144 : f32 to vector<512x2048xf32>
    %mul3A_146 = arith.mulf %dot_general3A_143, %mul3A_145 : vector<512x2048xf32>
    %exp3A_147 = math.exp %mul3A_146 : vector<512x2048xf32>
    %reduce_sum3A_148 = arith.constant dense<0.000000e+00> : vector<512xf32>
    %reduce_sum3A_149 = vector.multi_reduction <add>, %exp3A_147, %reduce_sum3A_148 [1] : vector<512x2048xf32> to vector<512xf32>
    %broadcast_in_dim3A_150 = vector.shape_cast %reduce_sum3A_149 : vector<512xf32> to vector<512x1xf32>
    %convert_element_type3A_151 = arith.truncf %exp3A_147 : vector<512x2048xf32> to vector<512x2048xbf16>
    %slice3A_152 = vector.extract_strided_slice %convert_element_type3A_9 {offsets = [0, 384], sizes = [2048, 64], strides = [1, 1]} : vector<2048x768xbf16> to vector<2048x64xbf16>
    %dot_general3A_153 = arith.constant dense<0.000000e+00> : vector<512x64xf32>
    %dot_general3A_154 = tpu.matmul %convert_element_type3A_151, %slice3A_152, %dot_general3A_153 {dimension_numbers = #tpu.dot_dimension_numbers<[1], [0], [0], [1], [0, 0, 1, 1], [], []>, transpose_lhs_hint = false} : vector<512x2048xbf16>, vector<2048x64xbf16>, vector<512x64xf32> -> vector<512x64xf32>
    %div3A_155 = arith.constant 1.000000e+00 : f32
    %div3A_156 = vector.broadcast %div3A_155 : f32 to vector<512x1xf32>
    %div3A_157 = arith.divf %div3A_156, %broadcast_in_dim3A_150 : vector<512x1xf32>
    %mul3A_158 = vector.broadcast %div3A_157 : vector<512x1xf32> to vector<512x64xf32>
    %mul3A_159 = arith.mulf %dot_general3A_154, %mul3A_158 : vector<512x64xf32>
    %swap3A_160 = arith.constant 0 : index
    %swap3A_161 = arith.constant 384 : index
    %swap3A_162 = vector.load %arg4[%swap3A_160, %swap3A_161] : memref<512x768xf32, #tpu.memory_space<vmem>>, vector<512x64xf32>
    tpu.vector_store %arg4[%swap3A_160, %swap3A_161], %mul3A_159 {strides = array<i32>} : memref<512x768xf32, #tpu.memory_space<vmem>>, vector<512x64xf32>,
    %slice3A_163 = vector.extract_strided_slice %convert_element_type3A {offsets = [0, 448], sizes = [512, 64], strides = [1, 1]} : vector<512x768xbf16> to vector<512x64xbf16>
    %slice3A_164 = vector.extract_strided_slice %convert_element_type3A_5 {offsets = [0, 448], sizes = [2048, 64], strides = [1, 1]} : vector<2048x768xbf16> to vector<2048x64xbf16>
    %dot_general3A_165 = arith.constant dense<0.000000e+00> : vector<512x2048xf32>
    %dot_general3A_166 = tpu.matmul %slice3A_163, %slice3A_164, %dot_general3A_165 {dimension_numbers = #tpu.dot_dimension_numbers<[1], [1], [0], [0], [0, 0, 1, 0], [], []>, transpose_lhs_hint = false} : vector<512x64xbf16>, vector<2048x64xbf16>, vector<512x2048xf32> -> vector<512x2048xf32>
    %mul3A_167 = arith.constant 1.250000e-01 : f32
    %mul3A_168 = vector.broadcast %mul3A_167 : f32 to vector<512x2048xf32>
    %mul3A_169 = arith.mulf %dot_general3A_166, %mul3A_168 : vector<512x2048xf32>
    %exp3A_170 = math.exp %mul3A_169 : vector<512x2048xf32>
    %reduce_sum3A_171 = arith.constant dense<0.000000e+00> : vector<512xf32>
    %reduce_sum3A_172 = vector.multi_reduction <add>, %exp3A_170, %reduce_sum3A_171 [1] : vector<512x2048xf32> to vector<512xf32>
    %broadcast_in_dim3A_173 = vector.shape_cast %reduce_sum3A_172 : vector<512xf32> to vector<512x1xf32>
    %convert_element_type3A_174 = arith.truncf %exp3A_170 : vector<512x2048xf32> to vector<512x2048xbf16>
    %slice3A_175 = vector.extract_strided_slice %convert_element_type3A_9 {offsets = [0, 448], sizes = [2048, 64], strides = [1, 1]} : vector<2048x768xbf16> to vector<2048x64xbf16>
    %dot_general3A_176 = arith.constant dense<0.000000e+00> : vector<512x64xf32>
    %dot_general3A_177 = tpu.matmul %convert_element_type3A_174, %slice3A_175, %dot_general3A_176 {dimension_numbers = #tpu.dot_dimension_numbers<[1], [0], [0], [1], [0, 0, 1, 1], [], []>, transpose_lhs_hint = false} : vector<512x2048xbf16>, vector<2048x64xbf16>, vector<512x64xf32> -> vector<512x64xf32>
    %div3A_178 = arith.constant 1.000000e+00 : f32
    %div3A_179 = vector.broadcast %div3A_178 : f32 to vector<512x1xf32>
    %div3A_180 = arith.divf %div3A_179, %broadcast_in_dim3A_173 : vector<512x1xf32>
    %mul3A_181 = vector.broadcast %div3A_180 : vector<512x1xf32> to vector<512x64xf32>
    %mul3A_182 = arith.mulf %dot_general3A_177, %mul3A_181 : vector<512x64xf32>
    %swap3A_183 = arith.constant 0 : index
    %swap3A_184 = arith.constant 448 : index
    %swap3A_185 = vector.load %arg4[%swap3A_183, %swap3A_184] : memref<512x768xf32, #tpu.memory_space<vmem>>, vector<512x64xf32>
    tpu.vector_store %arg4[%swap3A_183, %swap3A_184], %mul3A_182 {strides = array<i32>} : memref<512x768xf32, #tpu.memory_space<vmem>>, vector<512x64xf32>,
    %slice3A_186 = vector.extract_strided_slice %convert_element_type3A {offsets = [0, 512], sizes = [512, 64], strides = [1, 1]} : vector<512x768xbf16> to vector<512x64xbf16>
    %slice3A_187 = vector.extract_strided_slice %convert_element_type3A_5 {offsets = [0, 512], sizes = [2048, 64], strides = [1, 1]} : vector<2048x768xbf16> to vector<2048x64xbf16>
    %dot_general3A_188 = arith.constant dense<0.000000e+00> : vector<512x2048xf32>
    %dot_general3A_189 = tpu.matmul %slice3A_186, %slice3A_187, %dot_general3A_188 {dimension_numbers = #tpu.dot_dimension_numbers<[1], [1], [0], [0], [0, 0, 1, 0], [], []>, transpose_lhs_hint = false} : vector<512x64xbf16>, vector<2048x64xbf16>, vector<512x2048xf32> -> vector<512x2048xf32>
    %mul3A_190 = arith.constant 1.250000e-01 : f32
    %mul3A_191 = vector.broadcast %mul3A_190 : f32 to vector<512x2048xf32>
    %mul3A_192 = arith.mulf %dot_general3A_189, %mul3A_191 : vector<512x2048xf32>
    %exp3A_193 = math.exp %mul3A_192 : vector<512x2048xf32>
    %reduce_sum3A_194 = arith.constant dense<0.000000e+00> : vector<512xf32>
    %reduce_sum3A_195 = vector.multi_reduction <add>, %exp3A_193, %reduce_sum3A_194 [1] : vector<512x2048xf32> to vector<512xf32>
    %broadcast_in_dim3A_196 = vector.shape_cast %reduce_sum3A_195 : vector<512xf32> to vector<512x1xf32>
    %convert_element_type3A_197 = arith.truncf %exp3A_193 : vector<512x2048xf32> to vector<512x2048xbf16>
    %slice3A_198 = vector.extract_strided_slice %convert_element_type3A_9 {offsets = [0, 512], sizes = [2048, 64], strides = [1, 1]} : vector<2048x768xbf16> to vector<2048x64xbf16>
    %dot_general3A_199 = arith.constant dense<0.000000e+00> : vector<512x64xf32>
    %dot_general3A_200 = tpu.matmul %convert_element_type3A_197, %slice3A_198, %dot_general3A_199 {dimension_numbers = #tpu.dot_dimension_numbers<[1], [0], [0], [1], [0, 0, 1, 1], [], []>, transpose_lhs_hint = false} : vector<512x2048xbf16>, vector<2048x64xbf16>, vector<512x64xf32> -> vector<512x64xf32>
    %div3A_201 = arith.constant 1.000000e+00 : f32
    %div3A_202 = vector.broadcast %div3A_201 : f32 to vector<512x1xf32>
    %div3A_203 = arith.divf %div3A_202, %broadcast_in_dim3A_196 : vector<512x1xf32>
    %mul3A_204 = vector.broadcast %div3A_203 : vector<512x1xf32> to vector<512x64xf32>
    %mul3A_205 = arith.mulf %dot_general3A_200, %mul3A_204 : vector<512x64xf32>
    %swap3A_206 = arith.constant 0 : index
    %swap3A_207 = arith.constant 512 : index
    %swap3A_208 = vector.load %arg4[%swap3A_206, %swap3A_207] : memref<512x768xf32, #tpu.memory_space<vmem>>, vector<512x64xf32>
    tpu.vector_store %arg4[%swap3A_206, %swap3A_207], %mul3A_205 {strides = array<i32>} : memref<512x768xf32, #tpu.memory_space<vmem>>, vector<512x64xf32>,
    %slice3A_209 = vector.extract_strided_slice %convert_element_type3A {offsets = [0, 576], sizes = [512, 64], strides = [1, 1]} : vector<512x768xbf16> to vector<512x64xbf16>
    %slice3A_210 = vector.extract_strided_slice %convert_element_type3A_5 {offsets = [0, 576], sizes = [2048, 64], strides = [1, 1]} : vector<2048x768xbf16> to vector<2048x64xbf16>
    %dot_general3A_211 = arith.constant dense<0.000000e+00> : vector<512x2048xf32>
    %dot_general3A_212 = tpu.matmul %slice3A_209, %slice3A_210, %dot_general3A_211 {dimension_numbers = #tpu.dot_dimension_numbers<[1], [1], [0], [0], [0, 0, 1, 0], [], []>, transpose_lhs_hint = false} : vector<512x64xbf16>, vector<2048x64xbf16>, vector<512x2048xf32> -> vector<512x2048xf32>
    %mul3A_213 = arith.constant 1.250000e-01 : f32
    %mul3A_214 = vector.broadcast %mul3A_213 : f32 to vector<512x2048xf32>
    %mul3A_215 = arith.mulf %dot_general3A_212, %mul3A_214 : vector<512x2048xf32>
    %exp3A_216 = math.exp %mul3A_215 : vector<512x2048xf32>
    %reduce_sum3A_217 = arith.constant dense<0.000000e+00> : vector<512xf32>
    %reduce_sum3A_218 = vector.multi_reduction <add>, %exp3A_216, %reduce_sum3A_217 [1] : vector<512x2048xf32> to vector<512xf32>
    %broadcast_in_dim3A_219 = vector.shape_cast %reduce_sum3A_218 : vector<512xf32> to vector<512x1xf32>
    %convert_element_type3A_220 = arith.truncf %exp3A_216 : vector<512x2048xf32> to vector<512x2048xbf16>
    %slice3A_221 = vector.extract_strided_slice %convert_element_type3A_9 {offsets = [0, 576], sizes = [2048, 64], strides = [1, 1]} : vector<2048x768xbf16> to vector<2048x64xbf16>
    %dot_general3A_222 = arith.constant dense<0.000000e+00> : vector<512x64xf32>
    %dot_general3A_223 = tpu.matmul %convert_element_type3A_220, %slice3A_221, %dot_general3A_222 {dimension_numbers = #tpu.dot_dimension_numbers<[1], [0], [0], [1], [0, 0, 1, 1], [], []>, transpose_lhs_hint = false} : vector<512x2048xbf16>, vector<2048x64xbf16>, vector<512x64xf32> -> vector<512x64xf32>
    %div3A_224 = arith.constant 1.000000e+00 : f32
    %div3A_225 = vector.broadcast %div3A_224 : f32 to vector<512x1xf32>
    %div3A_226 = arith.divf %div3A_225, %broadcast_in_dim3A_219 : vector<512x1xf32>
    %mul3A_227 = vector.broadcast %div3A_226 : vector<512x1xf32> to vector<512x64xf32>
    %mul3A_228 = arith.mulf %dot_general3A_223, %mul3A_227 : vector<512x64xf32>
    %swap3A_229 = arith.constant 0 : index
    %swap3A_230 = arith.constant 576 : index
    %swap3A_231 = vector.load %arg4[%swap3A_229, %swap3A_230] : memref<512x768xf32, #tpu.memory_space<vmem>>, vector<512x64xf32>
    tpu.vector_store %arg4[%swap3A_229, %swap3A_230], %mul3A_228 {strides = array<i32>} : memref<512x768xf32, #tpu.memory_space<vmem>>, vector<512x64xf32>,
    %slice3A_232 = vector.extract_strided_slice %convert_element_type3A {offsets = [0, 640], sizes = [512, 64], strides = [1, 1]} : vector<512x768xbf16> to vector<512x64xbf16>
    %slice3A_233 = vector.extract_strided_slice %convert_element_type3A_5 {offsets = [0, 640], sizes = [2048, 64], strides = [1, 1]} : vector<2048x768xbf16> to vector<2048x64xbf16>
    %dot_general3A_234 = arith.constant dense<0.000000e+00> : vector<512x2048xf32>
    %dot_general3A_235 = tpu.matmul %slice3A_232, %slice3A_233, %dot_general3A_234 {dimension_numbers = #tpu.dot_dimension_numbers<[1], [1], [0], [0], [0, 0, 1, 0], [], []>, transpose_lhs_hint = false} : vector<512x64xbf16>, vector<2048x64xbf16>, vector<512x2048xf32> -> vector<512x2048xf32>
    %mul3A_236 = arith.constant 1.250000e-01 : f32
    %mul3A_237 = vector.broadcast %mul3A_236 : f32 to vector<512x2048xf32>
    %mul3A_238 = arith.mulf %dot_general3A_235, %mul3A_237 : vector<512x2048xf32>
    %exp3A_239 = math.exp %mul3A_238 : vector<512x2048xf32>
    %reduce_sum3A_240 = arith.constant dense<0.000000e+00> : vector<512xf32>
    %reduce_sum3A_241 = vector.multi_reduction <add>, %exp3A_239, %reduce_sum3A_240 [1] : vector<512x2048xf32> to vector<512xf32>
    %broadcast_in_dim3A_242 = vector.shape_cast %reduce_sum3A_241 : vector<512xf32> to vector<512x1xf32>
    %convert_element_type3A_243 = arith.truncf %exp3A_239 : vector<512x2048xf32> to vector<512x2048xbf16>
    %slice3A_244 = vector.extract_strided_slice %convert_element_type3A_9 {offsets = [0, 640], sizes = [2048, 64], strides = [1, 1]} : vector<2048x768xbf16> to vector<2048x64xbf16>
    %dot_general3A_245 = arith.constant dense<0.000000e+00> : vector<512x64xf32>
    %dot_general3A_246 = tpu.matmul %convert_element_type3A_243, %slice3A_244, %dot_general3A_245 {dimension_numbers = #tpu.dot_dimension_numbers<[1], [0], [0], [1], [0, 0, 1, 1], [], []>, transpose_lhs_hint = false} : vector<512x2048xbf16>, vector<2048x64xbf16>, vector<512x64xf32> -> vector<512x64xf32>
    %div3A_247 = arith.constant 1.000000e+00 : f32
    %div3A_248 = vector.broadcast %div3A_247 : f32 to vector<512x1xf32>
    %div3A_249 = arith.divf %div3A_248, %broadcast_in_dim3A_242 : vector<512x1xf32>
    %mul3A_250 = vector.broadcast %div3A_249 : vector<512x1xf32> to vector<512x64xf32>
    %mul3A_251 = arith.mulf %dot_general3A_246, %mul3A_250 : vector<512x64xf32>
    %swap3A_252 = arith.constant 0 : index
    %swap3A_253 = arith.constant 640 : index
    %swap3A_254 = vector.load %arg4[%swap3A_252, %swap3A_253] : memref<512x768xf32, #tpu.memory_space<vmem>>, vector<512x64xf32>
    tpu.vector_store %arg4[%swap3A_252, %swap3A_253], %mul3A_251 {strides = array<i32>} : memref<512x768xf32, #tpu.memory_space<vmem>>, vector<512x64xf32>,
    %slice3A_255 = vector.extract_strided_slice %convert_element_type3A {offsets = [0, 704], sizes = [512, 64], strides = [1, 1]} : vector<512x768xbf16> to vector<512x64xbf16>
    %slice3A_256 = vector.extract_strided_slice %convert_element_type3A_5 {offsets = [0, 704], sizes = [2048, 64], strides = [1, 1]} : vector<2048x768xbf16> to vector<2048x64xbf16>
    %dot_general3A_257 = arith.constant dense<0.000000e+00> : vector<512x2048xf32>
    %dot_general3A_258 = tpu.matmul %slice3A_255, %slice3A_256, %dot_general3A_257 {dimension_numbers = #tpu.dot_dimension_numbers<[1], [1], [0], [0], [0, 0, 1, 0], [], []>, transpose_lhs_hint = false} : vector<512x64xbf16>, vector<2048x64xbf16>, vector<512x2048xf32> -> vector<512x2048xf32>
    %mul3A_259 = arith.constant 1.250000e-01 : f32
    %mul3A_260 = vector.broadcast %mul3A_259 : f32 to vector<512x2048xf32>
    %mul3A_261 = arith.mulf %dot_general3A_258, %mul3A_260 : vector<512x2048xf32>
    %exp3A_262 = math.exp %mul3A_261 : vector<512x2048xf32>
    %reduce_sum3A_263 = arith.constant dense<0.000000e+00> : vector<512xf32>
    %reduce_sum3A_264 = vector.multi_reduction <add>, %exp3A_262, %reduce_sum3A_263 [1] : vector<512x2048xf32> to vector<512xf32>
    %broadcast_in_dim3A_265 = vector.shape_cast %reduce_sum3A_264 : vector<512xf32> to vector<512x1xf32>
    %convert_element_type3A_266 = arith.truncf %exp3A_262 : vector<512x2048xf32> to vector<512x2048xbf16>
    %slice3A_267 = vector.extract_strided_slice %convert_element_type3A_9 {offsets = [0, 704], sizes = [2048, 64], strides = [1, 1]} : vector<2048x768xbf16> to vector<2048x64xbf16>
    %dot_general3A_268 = arith.constant dense<0.000000e+00> : vector<512x64xf32>
    %dot_general3A_269 = tpu.matmul %convert_element_type3A_266, %slice3A_267, %dot_general3A_268 {dimension_numbers = #tpu.dot_dimension_numbers<[1], [0], [0], [1], [0, 0, 1, 1], [], []>, transpose_lhs_hint = false} : vector<512x2048xbf16>, vector<2048x64xbf16>, vector<512x64xf32> -> vector<512x64xf32>
    %div3A_270 = arith.constant 1.000000e+00 : f32
    %div3A_271 = vector.broadcast %div3A_270 : f32 to vector<512x1xf32>
    %div3A_272 = arith.divf %div3A_271, %broadcast_in_dim3A_265 : vector<512x1xf32>
    %mul3A_273 = vector.broadcast %div3A_272 : vector<512x1xf32> to vector<512x64xf32>
    %mul3A_274 = arith.mulf %dot_general3A_269, %mul3A_273 : vector<512x64xf32>
    %swap3A_275 = arith.constant 0 : index
    %swap3A_276 = arith.constant 704 : index
    %swap3A_277 = vector.load %arg4[%swap3A_275, %swap3A_276] : memref<512x768xf32, #tpu.memory_space<vmem>>, vector<512x64xf32>
    tpu.vector_store %arg4[%swap3A_275, %swap3A_276], %mul3A_274 {strides = array<i32>} : memref<512x768xf32, #tpu.memory_space<vmem>>, vector<512x64xf32>,
    return
  }
  func.func @transform_0(%arg0: i32) -> (i32, i32) {
    %c0_i32 = arith.constant 0 : i32
    %c0_i32_0 = arith.constant 0 : i32
    return %arg0, %c0_i32 : i32, i32
  }
  func.func @transform_1(%arg0: i32) -> (i32, i32) {
    %c0_i32 = arith.constant 0 : i32
    %c1_i32 = arith.constant 1 : i32
    %c0_i32_0 = arith.constant 0 : i32
    return %c0_i32, %c1_i32 : i32, i32
  }
  func.func @transform_2(%arg0: i32) -> (i32, i32) {
    %c0_i32 = arith.constant 0 : i32
    %c2_i32 = arith.constant 2 : i32
    %c0_i32_0 = arith.constant 0 : i32
    return %c0_i32, %c2_i32 : i32, i32
  }
  func.func @transform_3(%arg0: i32) -> (i32, i32) {
    %c0_i32 = arith.constant 0 : i32
    %c0_i32_0 = arith.constant 0 : i32
    return %arg0, %c0_i32 : i32, i32
  }
}

module attributes {stable_mosaic.version = 14 : i64} {
  func.func @_proj_moe_body(%arg0: i32, %arg1: memref<256x768xf32, #tpu.memory_space<vmem>>, %arg2: memref<768x768xf32, #tpu.memory_space<vmem>>, %arg3: memref<1x768xf32, #tpu.memory_space<vmem>>, %arg4: memref<256x768xf32, #tpu.memory_space<vmem>>, %arg5: memref<1x768xf32, #tpu.memory_space<vmem>>, %arg6: memref<1x768xf32, #tpu.memory_space<vmem>>, %arg7: memref<2x768x768xf32, #tpu.memory_space<vmem>>, %arg8: memref<2x768xf32, #tpu.memory_space<vmem>>, %arg9: memref<2x768x768xf32, #tpu.memory_space<vmem>>, %arg10: memref<2x768xf32, #tpu.memory_space<vmem>>, %arg11: memref<768x14xf32, #tpu.memory_space<vmem>>, %arg12: memref<1x14xf32, #tpu.memory_space<vmem>>, %arg13: memref<256x768xf32, #tpu.memory_space<vmem>>, %arg14: memref<256x768xf32, #tpu.memory_space<vmem>>, %arg15: memref<256x16xf32, #tpu.memory_space<vmem>>, %arg16: memref<256x16xi32, #tpu.memory_space<vmem>>) attributes {dimension_semantics = [#tpu.dimension_semantics<arbitrary>], iteration_bounds = array<i64: 8>, scalar_prefetch = 0 : i64, scratch_operands = 0 : i64, tpu.core_type = #tpu.core_type<tc>, window_params = [{transform_indices = @transform_0, window_bounds = array<i64: 256, 768>}, {pipeline_mode = #tpu.pipeline_mode<synchronous>, transform_indices = @transform_1, window_bounds = array<i64: 768, 768>}, {pipeline_mode = #tpu.pipeline_mode<synchronous>, transform_indices = @transform_2, window_bounds = array<i64: 1, 768>}, {transform_indices = @transform_3, window_bounds = array<i64: 256, 768>}, {pipeline_mode = #tpu.pipeline_mode<synchronous>, transform_indices = @transform_4, window_bounds = array<i64: 1, 768>}, {pipeline_mode = #tpu.pipeline_mode<synchronous>, transform_indices = @transform_5, window_bounds = array<i64: 1, 768>}, {pipeline_mode = #tpu.pipeline_mode<synchronous>, transform_indices = @transform_6, window_bounds = array<i64: 2, 768, 768>}, {pipeline_mode = #tpu.pipeline_mode<synchronous>, transform_indices = @transform_7, window_bounds = array<i64: 2, 768>}, {pipeline_mode = #tpu.pipeline_mode<synchronous>, transform_indices = @transform_8, window_bounds = array<i64: 2, 768, 768>}, {pipeline_mode = #tpu.pipeline_mode<synchronous>, transform_indices = @transform_9, window_bounds = array<i64: 2, 768>}, {pipeline_mode = #tpu.pipeline_mode<synchronous>, transform_indices = @transform_10, window_bounds = array<i64: 768, 14>}, {pipeline_mode = #tpu.pipeline_mode<synchronous>, transform_indices = @transform_11, window_bounds = array<i64: 1, 14>}, {transform_indices = @transform_12, window_bounds = array<i64: 256, 768>}, {transform_indices = @transform_13, window_bounds = array<i64: 256, 768>}, {transform_indices = @transform_14, window_bounds = array<i64: 256, 16>}, {transform_indices = @transform_15, window_bounds = array<i64: 256, 16>}]} {
    %get3A = arith.constant 0 : index
    %get3A_0 = arith.constant 0 : index
    %get3A_1 = vector.load %arg1[%get3A, %get3A_0] : memref<256x768xf32, #tpu.memory_space<vmem>>, vector<256x768xf32>
    %convert_element_type3A = arith.truncf %get3A_1 : vector<256x768xf32> to vector<256x768xbf16>
    %get3A_2 = arith.constant 0 : index
    %get3A_3 = arith.constant 0 : index
    %get3A_4 = vector.load %arg2[%get3A_2, %get3A_3] : memref<768x768xf32, #tpu.memory_space<vmem>>, vector<768x768xf32>
    %convert_element_type3A_5 = arith.truncf %get3A_4 : vector<768x768xf32> to vector<768x768xbf16>
    %dot_general3A = arith.constant dense<0.000000e+00> : vector<256x768xf32>
    %dot_general3A_6 = tpu.matmul %convert_element_type3A, %convert_element_type3A_5, %dot_general3A {dimension_numbers = #tpu.dot_dimension_numbers<[1], [0], [0], [1], [0, 0, 1, 1], [], []>, transpose_lhs_hint = false} : vector<256x768xbf16>, vector<768x768xbf16>, vector<256x768xf32> -> vector<256x768xf32>
    %get3A_7 = arith.constant 0 : index
    %get3A_8 = arith.constant 0 : index
    %get3A_9 = vector.load %arg3[%get3A_7, %get3A_8] : memref<1x768xf32, #tpu.memory_space<vmem>>, vector<1x768xf32>
    %add3A = vector.broadcast %get3A_9 : vector<1x768xf32> to vector<256x768xf32>
    %add3A_10 = arith.addf %dot_general3A_6, %add3A : vector<256x768xf32>
    %get3A_11 = arith.constant 0 : index
    %get3A_12 = arith.constant 0 : index
    %get3A_13 = vector.load %arg4[%get3A_11, %get3A_12] : memref<256x768xf32, #tpu.memory_space<vmem>>, vector<256x768xf32>
    %add3A_14 = arith.addf %add3A_10, %get3A_13 : vector<256x768xf32>
    %get3A_15 = arith.constant 0 : index
    %get3A_16 = arith.constant 0 : index
    %get3A_17 = vector.load %arg5[%get3A_15, %get3A_16] : memref<1x768xf32, #tpu.memory_space<vmem>>, vector<1x768xf32>
    %get3A_18 = arith.constant 0 : index
    %get3A_19 = arith.constant 0 : index
    %get3A_20 = vector.load %arg6[%get3A_18, %get3A_19] : memref<1x768xf32, #tpu.memory_space<vmem>>, vector<1x768xf32>
    %reduce_sum3A = arith.constant dense<0.000000e+00> : vector<256xf32>
    %reduce_sum3A_21 = vector.multi_reduction <add>, %add3A_14, %reduce_sum3A [1] : vector<256x768xf32> to vector<256xf32>
    %broadcast_in_dim3A = vector.shape_cast %reduce_sum3A_21 : vector<256xf32> to vector<256x1xf32>
    %div3A = arith.constant 7.680000e+02 : f32
    %div3A_22 = vector.broadcast %div3A : f32 to vector<256x1xf32>
    %div3A_23 = arith.divf %broadcast_in_dim3A, %div3A_22 : vector<256x1xf32>
    %sub3A = vector.broadcast %div3A_23 : vector<256x1xf32> to vector<256x768xf32>
    %sub3A_24 = arith.subf %add3A_14, %sub3A : vector<256x768xf32>
    %integer_pow3A = arith.mulf %sub3A_24, %sub3A_24 : vector<256x768xf32>
    %reduce_sum3A_25 = arith.constant dense<0.000000e+00> : vector<256xf32>
    %reduce_sum3A_26 = vector.multi_reduction <add>, %integer_pow3A, %reduce_sum3A_25 [1] : vector<256x768xf32> to vector<256xf32>
    %broadcast_in_dim3A_27 = vector.shape_cast %reduce_sum3A_26 : vector<256xf32> to vector<256x1xf32>
    %div3A_28 = arith.constant 7.680000e+02 : f32
    %div3A_29 = vector.broadcast %div3A_28 : f32 to vector<256x1xf32>
    %div3A_30 = arith.divf %broadcast_in_dim3A_27, %div3A_29 : vector<256x1xf32>
    %sub3A_31 = vector.broadcast %div3A_23 : vector<256x1xf32> to vector<256x768xf32>
    %sub3A_32 = arith.subf %add3A_14, %sub3A_31 : vector<256x768xf32>
    %add3A_33 = arith.constant 9.99999974E-6 : f32
    %add3A_34 = vector.broadcast %add3A_33 : f32 to vector<256x1xf32>
    %add3A_35 = arith.addf %div3A_30, %add3A_34 : vector<256x1xf32>
    %rsqrt3A = math.rsqrt %add3A_35 : vector<256x1xf32>
    %mul3A = vector.broadcast %rsqrt3A : vector<256x1xf32> to vector<256x768xf32>
    %mul3A_36 = arith.mulf %sub3A_32, %mul3A : vector<256x768xf32>
    %mul3A_37 = vector.broadcast %get3A_17 : vector<1x768xf32> to vector<256x768xf32>
    %mul3A_38 = arith.mulf %mul3A_36, %mul3A_37 : vector<256x768xf32>
    %add3A_39 = vector.broadcast %get3A_20 : vector<1x768xf32> to vector<256x768xf32>
    %add3A_40 = arith.addf %mul3A_38, %add3A_39 : vector<256x768xf32>
    %swap3A = arith.constant 0 : index
    %swap3A_41 = arith.constant 0 : index
    %swap3A_42 = vector.load %arg13[%swap3A, %swap3A_41] : memref<256x768xf32, #tpu.memory_space<vmem>>, vector<256x768xf32>
    tpu.vector_store %arg13[%swap3A, %swap3A_41], %add3A_40 {strides = array<i32>} : memref<256x768xf32, #tpu.memory_space<vmem>>, vector<256x768xf32>,
    %convert_element_type3A_43 = arith.truncf %add3A_40 : vector<256x768xf32> to vector<256x768xbf16>
    %add3A_44 = arith.addf %add3A_14, %add3A_40 : vector<256x768xf32>
    %get3A_45 = arith.constant 0 : index
    %get3A_46 = arith.constant 0 : index
    %get3A_47 = vector.load %arg10[%get3A_45, %get3A_46] : memref<2x768xf32, #tpu.memory_space<vmem>>, vector<1x768xf32>
    %add3A_48 = vector.broadcast %get3A_47 : vector<1x768xf32> to vector<256x768xf32>
    %add3A_49 = arith.addf %add3A_44, %add3A_48 : vector<256x768xf32>
    %get3A_50 = arith.constant 1 : index
    %get3A_51 = arith.constant 0 : index
    %get3A_52 = vector.load %arg10[%get3A_50, %get3A_51] : memref<2x768xf32, #tpu.memory_space<vmem>>, vector<1x768xf32>
    %add3A_53 = vector.broadcast %get3A_52 : vector<1x768xf32> to vector<256x768xf32>
    %add3A_54 = arith.addf %add3A_49, %add3A_53 : vector<256x768xf32>
    %get3A_55 = arith.constant 0 : index
    %get3A_56 = arith.constant 0 : index
    %get3A_57 = arith.constant 0 : index
    %get3A_58 = vector.load %arg7[%get3A_55, %get3A_56, %get3A_57] : memref<2x768x768xf32, #tpu.memory_space<vmem>>, vector<1x768x768xf32>
    %get3A_59 = vector.shape_cast %get3A_58 : vector<1x768x768xf32> to vector<768x768xf32>
    %convert_element_type3A_60 = arith.truncf %get3A_59 : vector<768x768xf32> to vector<768x768xbf16>
    %dot_general3A_61 = arith.constant dense<0.000000e+00> : vector<256x768xf32>
    %dot_general3A_62 = tpu.matmul %convert_element_type3A_43, %convert_element_type3A_60, %dot_general3A_61 {dimension_numbers = #tpu.dot_dimension_numbers<[1], [0], [0], [1], [0, 0, 1, 1], [], []>, transpose_lhs_hint = false} : vector<256x768xbf16>, vector<768x768xbf16>, vector<256x768xf32> -> vector<256x768xf32>
    %get3A_63 = arith.constant 0 : index
    %get3A_64 = arith.constant 0 : index
    %get3A_65 = vector.load %arg8[%get3A_63, %get3A_64] : memref<2x768xf32, #tpu.memory_space<vmem>>, vector<1x768xf32>
    %add3A_66 = vector.broadcast %get3A_65 : vector<1x768xf32> to vector<256x768xf32>
    %add3A_67 = arith.addf %dot_general3A_62, %add3A_66 : vector<256x768xf32>
    %mul3A_68 = arith.constant 5.000000e-01 : f32
    %mul3A_69 = vector.broadcast %mul3A_68 : f32 to vector<256x768xf32>
    %mul3A_70 = arith.mulf %mul3A_69, %add3A_67 : vector<256x768xf32>
    %mul3A_71 = arith.constant 0.707106769 : f32
    %mul3A_72 = vector.broadcast %mul3A_71 : f32 to vector<256x768xf32>
    %mul3A_73 = arith.mulf %add3A_67, %mul3A_72 : vector<256x768xf32>
    %erf3A = math.erf %mul3A_73 : vector<256x768xf32>
    %add3A_74 = arith.constant 1.000000e+00 : f32
    %add3A_75 = vector.broadcast %add3A_74 : f32 to vector<256x768xf32>
    %add3A_76 = arith.addf %add3A_75, %erf3A : vector<256x768xf32>
    %mul3A_77 = arith.mulf %mul3A_70, %add3A_76 : vector<256x768xf32>
    %convert_element_type3A_78 = arith.truncf %mul3A_77 : vector<256x768xf32> to vector<256x768xbf16>
    %get3A_79 = arith.constant 0 : index
    %get3A_80 = arith.constant 0 : index
    %get3A_81 = arith.constant 0 : index
    %get3A_82 = vector.load %arg9[%get3A_79, %get3A_80, %get3A_81] : memref<2x768x768xf32, #tpu.memory_space<vmem>>, vector<1x768x768xf32>
    %get3A_83 = vector.shape_cast %get3A_82 : vector<1x768x768xf32> to vector<768x768xf32>
    %convert_element_type3A_84 = arith.truncf %get3A_83 : vector<768x768xf32> to vector<768x768xbf16>
    %dot_general3A_85 = arith.constant dense<0.000000e+00> : vector<256x768xf32>
    %dot_general3A_86 = tpu.matmul %convert_element_type3A_78, %convert_element_type3A_84, %dot_general3A_85 {dimension_numbers = #tpu.dot_dimension_numbers<[1], [0], [0], [1], [0, 0, 1, 1], [], []>, transpose_lhs_hint = false} : vector<256x768xbf16>, vector<768x768xbf16>, vector<256x768xf32> -> vector<256x768xf32>
    %add3A_87 = arith.addf %add3A_54, %dot_general3A_86 : vector<256x768xf32>
    %get3A_88 = arith.constant 1 : index
    %get3A_89 = arith.constant 0 : index
    %get3A_90 = arith.constant 0 : index
    %get3A_91 = vector.load %arg7[%get3A_88, %get3A_89, %get3A_90] : memref<2x768x768xf32, #tpu.memory_space<vmem>>, vector<1x768x768xf32>
    %get3A_92 = vector.shape_cast %get3A_91 : vector<1x768x768xf32> to vector<768x768xf32>
    %convert_element_type3A_93 = arith.truncf %get3A_92 : vector<768x768xf32> to vector<768x768xbf16>
    %dot_general3A_94 = arith.constant dense<0.000000e+00> : vector<256x768xf32>
    %dot_general3A_95 = tpu.matmul %convert_element_type3A_43, %convert_element_type3A_93, %dot_general3A_94 {dimension_numbers = #tpu.dot_dimension_numbers<[1], [0], [0], [1], [0, 0, 1, 1], [], []>, transpose_lhs_hint = false} : vector<256x768xbf16>, vector<768x768xbf16>, vector<256x768xf32> -> vector<256x768xf32>
    %get3A_96 = arith.constant 1 : index
    %get3A_97 = arith.constant 0 : index
    %get3A_98 = vector.load %arg8[%get3A_96, %get3A_97] : memref<2x768xf32, #tpu.memory_space<vmem>>, vector<1x768xf32>
    %add3A_99 = vector.broadcast %get3A_98 : vector<1x768xf32> to vector<256x768xf32>
    %add3A_100 = arith.addf %dot_general3A_95, %add3A_99 : vector<256x768xf32>
    %mul3A_101 = arith.constant 5.000000e-01 : f32
    %mul3A_102 = vector.broadcast %mul3A_101 : f32 to vector<256x768xf32>
    %mul3A_103 = arith.mulf %mul3A_102, %add3A_100 : vector<256x768xf32>
    %mul3A_104 = arith.constant 0.707106769 : f32
    %mul3A_105 = vector.broadcast %mul3A_104 : f32 to vector<256x768xf32>
    %mul3A_106 = arith.mulf %add3A_100, %mul3A_105 : vector<256x768xf32>
    %erf3A_107 = math.erf %mul3A_106 : vector<256x768xf32>
    %add3A_108 = arith.constant 1.000000e+00 : f32
    %add3A_109 = vector.broadcast %add3A_108 : f32 to vector<256x768xf32>
    %add3A_110 = arith.addf %add3A_109, %erf3A_107 : vector<256x768xf32>
    %mul3A_111 = arith.mulf %mul3A_103, %add3A_110 : vector<256x768xf32>
    %convert_element_type3A_112 = arith.truncf %mul3A_111 : vector<256x768xf32> to vector<256x768xbf16>
    %get3A_113 = arith.constant 1 : index
    %get3A_114 = arith.constant 0 : index
    %get3A_115 = arith.constant 0 : index
    %get3A_116 = vector.load %arg9[%get3A_113, %get3A_114, %get3A_115] : memref<2x768x768xf32, #tpu.memory_space<vmem>>, vector<1x768x768xf32>
    %get3A_117 = vector.shape_cast %get3A_116 : vector<1x768x768xf32> to vector<768x768xf32>
    %convert_element_type3A_118 = arith.truncf %get3A_117 : vector<768x768xf32> to vector<768x768xbf16>
    %dot_general3A_119 = arith.constant dense<0.000000e+00> : vector<256x768xf32>
    %dot_general3A_120 = tpu.matmul %convert_element_type3A_112, %convert_element_type3A_118, %dot_general3A_119 {dimension_numbers = #tpu.dot_dimension_numbers<[1], [0], [0], [1], [0, 0, 1, 1], [], []>, transpose_lhs_hint = false} : vector<256x768xbf16>, vector<768x768xbf16>, vector<256x768xf32> -> vector<256x768xf32>
    %add3A_121 = arith.addf %add3A_87, %dot_general3A_120 : vector<256x768xf32>
    %swap3A_122 = arith.constant 0 : index
    %swap3A_123 = arith.constant 0 : index
    %swap3A_124 = vector.load %arg14[%swap3A_122, %swap3A_123] : memref<256x768xf32, #tpu.memory_space<vmem>>, vector<256x768xf32>
    tpu.vector_store %arg14[%swap3A_122, %swap3A_123], %add3A_121 {strides = array<i32>} : memref<256x768xf32, #tpu.memory_space<vmem>>, vector<256x768xf32>,
    %get3A_125 = arith.constant 0 : index
    %get3A_126 = arith.constant 0 : index
    %get3A_127 = vector.load %arg11[%get3A_125, %get3A_126] : memref<768x14xf32, #tpu.memory_space<vmem>>, vector<768x14xf32>
    %dot_general3A_128 = arith.constant dense<0.000000e+00> : vector<256x14xf32>
    %dot_general3A_129 = tpu.matmul %add3A_40, %get3A_127, %dot_general3A_128 {dimension_numbers = #tpu.dot_dimension_numbers<[1], [0], [0], [1], [0, 0, 1, 1], [], []>, transpose_lhs_hint = false} : vector<256x768xf32>, vector<768x14xf32>, vector<256x14xf32> -> vector<256x14xf32>
    %get3A_130 = arith.constant 0 : index
    %get3A_131 = arith.constant 0 : index
    %get3A_132 = vector.load %arg12[%get3A_130, %get3A_131] : memref<1x14xf32, #tpu.memory_space<vmem>>, vector<1x14xf32>
    %add3A_133 = vector.broadcast %get3A_132 : vector<1x14xf32> to vector<256x14xf32>
    %add3A_134 = arith.addf %dot_general3A_129, %add3A_133 : vector<256x14xf32>
    %reduce_max3A = arith.constant dense<0xFF800000> : vector<256xf32>
    %reduce_max3A_135 = vector.multi_reduction <maximumf>, %add3A_134, %reduce_max3A [1] : vector<256x14xf32> to vector<256xf32>
    %broadcast_in_dim3A_136 = vector.shape_cast %reduce_max3A_135 : vector<256xf32> to vector<256x1xf32>
    %sub3A_137 = vector.broadcast %broadcast_in_dim3A_136 : vector<256x1xf32> to vector<256x14xf32>
    %sub3A_138 = arith.subf %add3A_134, %sub3A_137 : vector<256x14xf32>
    %exp3A = math.exp %sub3A_138 : vector<256x14xf32>
    %reduce_sum3A_139 = arith.constant dense<0.000000e+00> : vector<256xf32>
    %reduce_sum3A_140 = vector.multi_reduction <add>, %exp3A, %reduce_sum3A_139 [1] : vector<256x14xf32> to vector<256xf32>
    %broadcast_in_dim3A_141 = vector.shape_cast %reduce_sum3A_140 : vector<256xf32> to vector<256x1xf32>
    %div3A_142 = vector.broadcast %broadcast_in_dim3A_141 : vector<256x1xf32> to vector<256x14xf32>
    %div3A_143 = arith.divf %exp3A, %div3A_142 : vector<256x14xf32>
    %iota3A = tpu.iota {dimensions = array<i32: 1>} : vector<256x14xi32>
    %argmax3A = tpu.reduce_index %div3A_143 {axis = 1 : i32, kind = #tpu.reduction_kind<arg_max>} : vector<256x14xf32> -> vector<256xi32>
    %reduce_max3A_144 = arith.constant dense<0xFF800000> : vector<256xf32>
    %reduce_max3A_145 = vector.multi_reduction <maximumf>, %div3A_143, %reduce_max3A_144 [1] : vector<256x14xf32> to vector<256xf32>
    %broadcast_in_dim3A_146 = vector.shape_cast %argmax3A : vector<256xi32> to vector<256x1xi32>
    %eq3A = vector.broadcast %broadcast_in_dim3A_146 : vector<256x1xi32> to vector<256x14xi32>
    %eq3A_147 = arith.cmpi eq, %iota3A, %eq3A : vector<256x14xi32>
    %jit3A = arith.constant -1.000000e+00 : f32
    %broadcast_in_dim3A_148 = vector.broadcast %jit3A : f32 to vector<256x14xf32>
    %select_n3A = arith.select %eq3A_147, %broadcast_in_dim3A_148, %div3A_143 : vector<256x14xi1>, vector<256x14xf32>
    %argmax3A_149 = tpu.reduce_index %select_n3A {axis = 1 : i32, kind = #tpu.reduction_kind<arg_max>} : vector<256x14xf32> -> vector<256xi32>
    %reduce_max3A_150 = arith.constant dense<0xFF800000> : vector<256xf32>
    %reduce_max3A_151 = vector.multi_reduction <maximumf>, %select_n3A, %reduce_max3A_150 [1] : vector<256x14xf32> to vector<256xf32>
    %iota3A_152 = tpu.iota {dimensions = array<i32: 1>} : vector<256x16xi32>
    %eq3A_153 = arith.constant 0 : i32
    %eq3A_154 = vector.broadcast %eq3A_153 : i32 to vector<256x16xi32>
    %eq3A_155 = arith.cmpi eq, %iota3A_152, %eq3A_154 : vector<256x16xi32>
    %broadcast_in_dim3A_156 = vector.shape_cast %reduce_max3A_145 : vector<256xf32> to vector<256x1xf32>
    %eq3A_157 = arith.constant 1 : i32
    %eq3A_158 = vector.broadcast %eq3A_157 : i32 to vector<256x16xi32>
    %eq3A_159 = arith.cmpi eq, %iota3A_152, %eq3A_158 : vector<256x16xi32>
    %broadcast_in_dim3A_160 = vector.shape_cast %reduce_max3A_151 : vector<256xf32> to vector<256x1xf32>
    %jit3A_161 = arith.constant 0.000000e+00 : f32
    %broadcast_in_dim3A_162 = vector.shape_cast %broadcast_in_dim3A_160 : vector<256x1xf32> to vector<256x1xf32>
    %broadcast_in_dim3A_163 = vector.broadcast %broadcast_in_dim3A_162 : vector<256x1xf32> to vector<256x16xf32>
    %broadcast_in_dim3A_164 = vector.broadcast %jit3A_161 : f32 to vector<256x16xf32>
    %select_n3A_165 = arith.select %eq3A_159, %broadcast_in_dim3A_163, %broadcast_in_dim3A_164 : vector<256x16xi1>, vector<256x16xf32>
    %broadcast_in_dim3A_166 = vector.shape_cast %broadcast_in_dim3A_156 : vector<256x1xf32> to vector<256x1xf32>
    %broadcast_in_dim3A_167 = vector.broadcast %broadcast_in_dim3A_166 : vector<256x1xf32> to vector<256x16xf32>
    %select_n3A_168 = arith.select %eq3A_155, %broadcast_in_dim3A_167, %select_n3A_165 : vector<256x16xi1>, vector<256x16xf32>
    %swap3A_169 = arith.constant 0 : index
    %swap3A_170 = arith.constant 0 : index
    %swap3A_171 = vector.load %arg15[%swap3A_169, %swap3A_170] : memref<256x16xf32, #tpu.memory_space<vmem>>, vector<256x16xf32>
    tpu.vector_store %arg15[%swap3A_169, %swap3A_170], %select_n3A_168 {strides = array<i32>} : memref<256x16xf32, #tpu.memory_space<vmem>>, vector<256x16xf32>,
    %eq3A_172 = arith.constant 0 : i32
    %eq3A_173 = vector.broadcast %eq3A_172 : i32 to vector<256x16xi32>
    %eq3A_174 = arith.cmpi eq, %iota3A_152, %eq3A_173 : vector<256x16xi32>
    %broadcast_in_dim3A_175 = vector.shape_cast %argmax3A : vector<256xi32> to vector<256x1xi32>
    %eq3A_176 = arith.constant 1 : i32
    %eq3A_177 = vector.broadcast %eq3A_176 : i32 to vector<256x16xi32>
    %eq3A_178 = arith.cmpi eq, %iota3A_152, %eq3A_177 : vector<256x16xi32>
    %broadcast_in_dim3A_179 = vector.shape_cast %argmax3A_149 : vector<256xi32> to vector<256x1xi32>
    %jit3A_180 = arith.constant 0 : i32
    %broadcast_in_dim3A_181 = vector.shape_cast %broadcast_in_dim3A_179 : vector<256x1xi32> to vector<256x1xi32>
    %broadcast_in_dim3A_182 = vector.broadcast %broadcast_in_dim3A_181 : vector<256x1xi32> to vector<256x16xi32>
    %broadcast_in_dim3A_183 = vector.broadcast %jit3A_180 : i32 to vector<256x16xi32>
    %select_n3A_184 = arith.select %eq3A_178, %broadcast_in_dim3A_182, %broadcast_in_dim3A_183 : vector<256x16xi1>, vector<256x16xi32>
    %broadcast_in_dim3A_185 = vector.shape_cast %broadcast_in_dim3A_175 : vector<256x1xi32> to vector<256x1xi32>
    %broadcast_in_dim3A_186 = vector.broadcast %broadcast_in_dim3A_185 : vector<256x1xi32> to vector<256x16xi32>
    %select_n3A_187 = arith.select %eq3A_174, %broadcast_in_dim3A_186, %select_n3A_184 : vector<256x16xi1>, vector<256x16xi32>
    %swap3A_188 = arith.constant 0 : index
    %swap3A_189 = arith.constant 0 : index
    %swap3A_190 = vector.load %arg16[%swap3A_188, %swap3A_189] : memref<256x16xi32, #tpu.memory_space<vmem>>, vector<256x16xi32>
    tpu.vector_store %arg16[%swap3A_188, %swap3A_189], %select_n3A_187 {strides = array<i32>} : memref<256x16xi32, #tpu.memory_space<vmem>>, vector<256x16xi32>,
    return
  }
  func.func @transform_0(%arg0: i32) -> (i32, i32) {
    %c0_i32 = arith.constant 0 : i32
    %c0_i32_0 = arith.constant 0 : i32
    return %arg0, %c0_i32 : i32, i32
  }
  func.func @transform_1(%arg0: i32) -> (i32, i32) {
    %c0_i32 = arith.constant 0 : i32
    %c0_i32_0 = arith.constant 0 : i32
    %c0_i32_1 = arith.constant 0 : i32
    return %c0_i32, %c0_i32_0 : i32, i32
  }
  func.func @transform_2(%arg0: i32) -> (i32, i32) {
    %c0_i32 = arith.constant 0 : i32
    %c0_i32_0 = arith.constant 0 : i32
    %c0_i32_1 = arith.constant 0 : i32
    return %c0_i32, %c0_i32_0 : i32, i32
  }
  func.func @transform_3(%arg0: i32) -> (i32, i32) {
    %c0_i32 = arith.constant 0 : i32
    %c0_i32_0 = arith.constant 0 : i32
    return %arg0, %c0_i32 : i32, i32
  }
  func.func @transform_4(%arg0: i32) -> (i32, i32) {
    %c0_i32 = arith.constant 0 : i32
    %c0_i32_0 = arith.constant 0 : i32
    %c0_i32_1 = arith.constant 0 : i32
    return %c0_i32, %c0_i32_0 : i32, i32
  }
  func.func @transform_5(%arg0: i32) -> (i32, i32) {
    %c0_i32 = arith.constant 0 : i32
    %c0_i32_0 = arith.constant 0 : i32
    %c0_i32_1 = arith.constant 0 : i32
    return %c0_i32, %c0_i32_0 : i32, i32
  }
  func.func @transform_6(%arg0: i32) -> (i32, i32, i32) {
    %c0_i32 = arith.constant 0 : i32
    %c0_i32_0 = arith.constant 0 : i32
    %c0_i32_1 = arith.constant 0 : i32
    %c0_i32_2 = arith.constant 0 : i32
    return %c0_i32, %c0_i32_0, %c0_i32_1 : i32, i32, i32
  }
  func.func @transform_7(%arg0: i32) -> (i32, i32) {
    %c0_i32 = arith.constant 0 : i32
    %c0_i32_0 = arith.constant 0 : i32
    %c0_i32_1 = arith.constant 0 : i32
    return %c0_i32, %c0_i32_0 : i32, i32
  }
  func.func @transform_8(%arg0: i32) -> (i32, i32, i32) {
    %c0_i32 = arith.constant 0 : i32
    %c0_i32_0 = arith.constant 0 : i32
    %c0_i32_1 = arith.constant 0 : i32
    %c0_i32_2 = arith.constant 0 : i32
    return %c0_i32, %c0_i32_0, %c0_i32_1 : i32, i32, i32
  }
  func.func @transform_9(%arg0: i32) -> (i32, i32) {
    %c0_i32 = arith.constant 0 : i32
    %c0_i32_0 = arith.constant 0 : i32
    %c0_i32_1 = arith.constant 0 : i32
    return %c0_i32, %c0_i32_0 : i32, i32
  }
  func.func @transform_10(%arg0: i32) -> (i32, i32) {
    %c0_i32 = arith.constant 0 : i32
    %c0_i32_0 = arith.constant 0 : i32
    %c0_i32_1 = arith.constant 0 : i32
    return %c0_i32, %c0_i32_0 : i32, i32
  }
  func.func @transform_11(%arg0: i32) -> (i32, i32) {
    %c0_i32 = arith.constant 0 : i32
    %c0_i32_0 = arith.constant 0 : i32
    %c0_i32_1 = arith.constant 0 : i32
    return %c0_i32, %c0_i32_0 : i32, i32
  }
  func.func @transform_12(%arg0: i32) -> (i32, i32) {
    %c0_i32 = arith.constant 0 : i32
    %c0_i32_0 = arith.constant 0 : i32
    return %arg0, %c0_i32 : i32, i32
  }
  func.func @transform_13(%arg0: i32) -> (i32, i32) {
    %c0_i32 = arith.constant 0 : i32
    %c0_i32_0 = arith.constant 0 : i32
    return %arg0, %c0_i32 : i32, i32
  }
  func.func @transform_14(%arg0: i32) -> (i32, i32) {
    %c0_i32 = arith.constant 0 : i32
    %c0_i32_0 = arith.constant 0 : i32
    return %arg0, %c0_i32 : i32, i32
  }
  func.func @transform_15(%arg0: i32) -> (i32, i32) {
    %c0_i32 = arith.constant 0 : i32
    %c0_i32_0 = arith.constant 0 : i32
    return %arg0, %c0_i32 : i32, i32
  }
}

module attributes {stable_mosaic.version = 14 : i64} {
  func.func @_moe_ffn_body(%arg0: i32, %arg1: memref<30xi32, #tpu.memory_space<smem>>, %arg2: memref<256x768xf32, #tpu.memory_space<vmem>>, %arg3: memref<1x768x768xf32, #tpu.memory_space<vmem>>, %arg4: memref<1x1x768xf32, #tpu.memory_space<vmem>>, %arg5: memref<1x768x768xf32, #tpu.memory_space<vmem>>, %arg6: memref<1x1x768xf32, #tpu.memory_space<vmem>>, %arg7: memref<256x768xf32, #tpu.memory_space<vmem>>) attributes {dimension_semantics = [#tpu.dimension_semantics<arbitrary>], iteration_bounds = array<i64: 30>, scalar_prefetch = 1 : i64, scratch_operands = 0 : i64, tpu.core_type = #tpu.core_type<tc>, window_params = [{transform_indices = @transform_0, window_bounds = array<i64: 256, 768>}, {transform_indices = @transform_1, window_bounds = array<i64: 1, 768, 768>}, {transform_indices = @transform_2, window_bounds = array<i64: 1, 1, 768>}, {transform_indices = @transform_3, window_bounds = array<i64: 1, 768, 768>}, {transform_indices = @transform_4, window_bounds = array<i64: 1, 1, 768>}, {transform_indices = @transform_5, window_bounds = array<i64: 256, 768>}]} {
    %get3A = arith.constant 0 : index
    %get3A_0 = arith.constant 0 : index
    %get3A_1 = vector.load %arg2[%get3A, %get3A_0] : memref<256x768xf32, #tpu.memory_space<vmem>>, vector<256x768xf32>
    %convert_element_type3A = arith.truncf %get3A_1 : vector<256x768xf32> to vector<256x768xbf16>
    %get3A_2 = arith.constant 0 : index
    %get3A_3 = arith.constant 0 : index
    %get3A_4 = arith.constant 0 : index
    %get3A_5 = vector.load %arg3[%get3A_2, %get3A_3, %get3A_4] : memref<1x768x768xf32, #tpu.memory_space<vmem>>, vector<1x768x768xf32>
    %get3A_6 = vector.shape_cast %get3A_5 : vector<1x768x768xf32> to vector<768x768xf32>
    %convert_element_type3A_7 = arith.truncf %get3A_6 : vector<768x768xf32> to vector<768x768xbf16>
    %dot_general3A = arith.constant dense<0.000000e+00> : vector<256x768xf32>
    %dot_general3A_8 = tpu.matmul %convert_element_type3A, %convert_element_type3A_7, %dot_general3A {dimension_numbers = #tpu.dot_dimension_numbers<[1], [0], [0], [1], [0, 0, 1, 1], [], []>, transpose_lhs_hint = false} : vector<256x768xbf16>, vector<768x768xbf16>, vector<256x768xf32> -> vector<256x768xf32>
    %get3A_9 = arith.constant 0 : index
    %get3A_10 = arith.constant 0 : index
    %get3A_11 = arith.constant 0 : index
    %get3A_12 = vector.load %arg4[%get3A_9, %get3A_10, %get3A_11] : memref<1x1x768xf32, #tpu.memory_space<vmem>>, vector<1x1x768xf32>
    %get3A_13 = vector.shape_cast %get3A_12 : vector<1x1x768xf32> to vector<1x768xf32>
    %add3A = vector.broadcast %get3A_13 : vector<1x768xf32> to vector<256x768xf32>
    %add3A_14 = arith.addf %dot_general3A_8, %add3A : vector<256x768xf32>
    %mul3A = arith.constant 5.000000e-01 : f32
    %mul3A_15 = vector.broadcast %mul3A : f32 to vector<256x768xf32>
    %mul3A_16 = arith.mulf %mul3A_15, %add3A_14 : vector<256x768xf32>
    %mul3A_17 = arith.constant 0.707106769 : f32
    %mul3A_18 = vector.broadcast %mul3A_17 : f32 to vector<256x768xf32>
    %mul3A_19 = arith.mulf %add3A_14, %mul3A_18 : vector<256x768xf32>
    %erf3A = math.erf %mul3A_19 : vector<256x768xf32>
    %add3A_20 = arith.constant 1.000000e+00 : f32
    %add3A_21 = vector.broadcast %add3A_20 : f32 to vector<256x768xf32>
    %add3A_22 = arith.addf %add3A_21, %erf3A : vector<256x768xf32>
    %mul3A_23 = arith.mulf %mul3A_16, %add3A_22 : vector<256x768xf32>
    %convert_element_type3A_24 = arith.truncf %mul3A_23 : vector<256x768xf32> to vector<256x768xbf16>
    %get3A_25 = arith.constant 0 : index
    %get3A_26 = arith.constant 0 : index
    %get3A_27 = arith.constant 0 : index
    %get3A_28 = vector.load %arg5[%get3A_25, %get3A_26, %get3A_27] : memref<1x768x768xf32, #tpu.memory_space<vmem>>, vector<1x768x768xf32>
    %get3A_29 = vector.shape_cast %get3A_28 : vector<1x768x768xf32> to vector<768x768xf32>
    %convert_element_type3A_30 = arith.truncf %get3A_29 : vector<768x768xf32> to vector<768x768xbf16>
    %dot_general3A_31 = arith.constant dense<0.000000e+00> : vector<256x768xf32>
    %dot_general3A_32 = tpu.matmul %convert_element_type3A_24, %convert_element_type3A_30, %dot_general3A_31 {dimension_numbers = #tpu.dot_dimension_numbers<[1], [0], [0], [1], [0, 0, 1, 1], [], []>, transpose_lhs_hint = false} : vector<256x768xbf16>, vector<768x768xbf16>, vector<256x768xf32> -> vector<256x768xf32>
    %get3A_33 = arith.constant 0 : index
    %get3A_34 = arith.constant 0 : index
    %get3A_35 = arith.constant 0 : index
    %get3A_36 = vector.load %arg6[%get3A_33, %get3A_34, %get3A_35] : memref<1x1x768xf32, #tpu.memory_space<vmem>>, vector<1x1x768xf32>
    %get3A_37 = vector.shape_cast %get3A_36 : vector<1x1x768xf32> to vector<1x768xf32>
    %add3A_38 = vector.broadcast %get3A_37 : vector<1x768xf32> to vector<256x768xf32>
    %add3A_39 = arith.addf %dot_general3A_32, %add3A_38 : vector<256x768xf32>
    %swap3A = arith.constant 0 : index
    %swap3A_40 = arith.constant 0 : index
    %swap3A_41 = vector.load %arg7[%swap3A, %swap3A_40] : memref<256x768xf32, #tpu.memory_space<vmem>>, vector<256x768xf32>
    tpu.vector_store %arg7[%swap3A, %swap3A_40], %add3A_39 {strides = array<i32>} : memref<256x768xf32, #tpu.memory_space<vmem>>, vector<256x768xf32>,
    return
  }
  func.func @transform_0(%arg0: i32, %arg1: memref<30xi32, #tpu.memory_space<smem>>) -> (i32, i32) {
    %c0_i32 = arith.constant 0 : i32
    %c0_i32_0 = arith.constant 0 : i32
    return %arg0, %c0_i32 : i32, i32
  }
  func.func @transform_1(%arg0: i32, %arg1: memref<30xi32, #tpu.memory_space<smem>>) -> (i32, i32, i32) {
    %get3A = arith.index_cast %arg0 : i32 to index
    %get3A_0 = memref.load %arg1[%get3A] : memref<30xi32, #tpu.memory_space<smem>>
    %c0_i32 = arith.constant 0 : i32
    %c0_i32_1 = arith.constant 0 : i32
    %c0_i32_2 = arith.constant 0 : i32
    return %get3A_0, %c0_i32, %c0_i32_1 : i32, i32, i32
  }
  func.func @transform_2(%arg0: i32, %arg1: memref<30xi32, #tpu.memory_space<smem>>) -> (i32, i32, i32) {
    %get3A = arith.index_cast %arg0 : i32 to index
    %get3A_0 = memref.load %arg1[%get3A] : memref<30xi32, #tpu.memory_space<smem>>
    %c0_i32 = arith.constant 0 : i32
    %c0_i32_1 = arith.constant 0 : i32
    %c0_i32_2 = arith.constant 0 : i32
    return %get3A_0, %c0_i32, %c0_i32_1 : i32, i32, i32
  }
  func.func @transform_3(%arg0: i32, %arg1: memref<30xi32, #tpu.memory_space<smem>>) -> (i32, i32, i32) {
    %get3A = arith.index_cast %arg0 : i32 to index
    %get3A_0 = memref.load %arg1[%get3A] : memref<30xi32, #tpu.memory_space<smem>>
    %c0_i32 = arith.constant 0 : i32
    %c0_i32_1 = arith.constant 0 : i32
    %c0_i32_2 = arith.constant 0 : i32
    return %get3A_0, %c0_i32, %c0_i32_1 : i32, i32, i32
  }
  func.func @transform_4(%arg0: i32, %arg1: memref<30xi32, #tpu.memory_space<smem>>) -> (i32, i32, i32) {
    %get3A = arith.index_cast %arg0 : i32 to index
    %get3A_0 = memref.load %arg1[%get3A] : memref<30xi32, #tpu.memory_space<smem>>
    %c0_i32 = arith.constant 0 : i32
    %c0_i32_1 = arith.constant 0 : i32
    %c0_i32_2 = arith.constant 0 : i32
    return %get3A_0, %c0_i32, %c0_i32_1 : i32, i32, i32
  }
  func.func @transform_5(%arg0: i32, %arg1: memref<30xi32, #tpu.memory_space<smem>>) -> (i32, i32) {
    %c0_i32 = arith.constant 0 : i32
    %c0_i32_0 = arith.constant 0 : i32
    return %arg0, %c0_i32 : i32, i32
  }
}

module attributes {stable_mosaic.version = 14 : i64} {
  func.func @_combine_body(%arg0: i32, %arg1: memref<256x768xf32, #tpu.memory_space<vmem>>, %arg2: memref<256x16xf32, #tpu.memory_space<vmem>>, %arg3: memref<256x768xf32, #tpu.memory_space<vmem>>, %arg4: memref<256x768xf32, #tpu.memory_space<vmem>>, %arg5: memref<256x768xf32, #tpu.memory_space<vmem>>) attributes {dimension_semantics = [#tpu.dimension_semantics<arbitrary>], iteration_bounds = array<i64: 8>, scalar_prefetch = 0 : i64, scratch_operands = 0 : i64, tpu.core_type = #tpu.core_type<tc>, window_params = [{transform_indices = @transform_0, window_bounds = array<i64: 256, 768>}, {transform_indices = @transform_1, window_bounds = array<i64: 256, 16>}, {transform_indices = @transform_2, window_bounds = array<i64: 256, 768>}, {transform_indices = @transform_3, window_bounds = array<i64: 256, 768>}, {transform_indices = @transform_4, window_bounds = array<i64: 256, 768>}]} {
    %get3A = arith.constant 0 : index
    %get3A_0 = arith.constant 0 : index
    %get3A_1 = vector.load %arg2[%get3A, %get3A_0] : memref<256x16xf32, #tpu.memory_space<vmem>>, vector<256x16xf32>
    %get3A_2 = arith.constant 0 : index
    %get3A_3 = arith.constant 0 : index
    %get3A_4 = vector.load %arg1[%get3A_2, %get3A_3] : memref<256x768xf32, #tpu.memory_space<vmem>>, vector<256x768xf32>
    %slice3A = vector.extract_strided_slice %get3A_1 {offsets = [0, 0], sizes = [256, 1], strides = [1, 1]} : vector<256x16xf32> to vector<256x1xf32>
    %get3A_5 = arith.constant 0 : index
    %get3A_6 = arith.constant 0 : index
    %get3A_7 = vector.load %arg3[%get3A_5, %get3A_6] : memref<256x768xf32, #tpu.memory_space<vmem>>, vector<256x768xf32>
    %mul3A = vector.broadcast %slice3A : vector<256x1xf32> to vector<256x768xf32>
    %mul3A_8 = arith.mulf %mul3A, %get3A_7 : vector<256x768xf32>
    %add3A = arith.addf %get3A_4, %mul3A_8 : vector<256x768xf32>
    %slice3A_9 = vector.extract_strided_slice %get3A_1 {offsets = [0, 1], sizes = [256, 1], strides = [1, 1]} : vector<256x16xf32> to vector<256x1xf32>
    %get3A_10 = arith.constant 0 : index
    %get3A_11 = arith.constant 0 : index
    %get3A_12 = vector.load %arg4[%get3A_10, %get3A_11] : memref<256x768xf32, #tpu.memory_space<vmem>>, vector<256x768xf32>
    %mul3A_13 = vector.broadcast %slice3A_9 : vector<256x1xf32> to vector<256x768xf32>
    %mul3A_14 = arith.mulf %mul3A_13, %get3A_12 : vector<256x768xf32>
    %add3A_15 = arith.addf %add3A, %mul3A_14 : vector<256x768xf32>
    %swap3A = arith.constant 0 : index
    %swap3A_16 = arith.constant 0 : index
    %swap3A_17 = vector.load %arg5[%swap3A, %swap3A_16] : memref<256x768xf32, #tpu.memory_space<vmem>>, vector<256x768xf32>
    tpu.vector_store %arg5[%swap3A, %swap3A_16], %add3A_15 {strides = array<i32>} : memref<256x768xf32, #tpu.memory_space<vmem>>, vector<256x768xf32>,
    return
  }
  func.func @transform_0(%arg0: i32) -> (i32, i32) {
    %c0_i32 = arith.constant 0 : i32
    %c0_i32_0 = arith.constant 0 : i32
    return %arg0, %c0_i32 : i32, i32
  }
  func.func @transform_1(%arg0: i32) -> (i32, i32) {
    %c0_i32 = arith.constant 0 : i32
    %c0_i32_0 = arith.constant 0 : i32
    return %arg0, %c0_i32 : i32, i32
  }
  func.func @transform_2(%arg0: i32) -> (i32, i32) {
    %c0_i32 = arith.constant 0 : i32
    %c0_i32_0 = arith.constant 0 : i32
    return %arg0, %c0_i32 : i32, i32
  }
  func.func @transform_3(%arg0: i32) -> (i32, i32) {
    %add3A = arith.constant 8 : i32
    %add3A_0 = arith.addi %arg0, %add3A : i32
    %c0_i32 = arith.constant 0 : i32
    %c0_i32_1 = arith.constant 0 : i32
    return %add3A_0, %c0_i32 : i32, i32
  }
  func.func @transform_4(%arg0: i32) -> (i32, i32) {
    %c0_i32 = arith.constant 0 : i32
    %c0_i32_0 = arith.constant 0 : i32
    return %arg0, %c0_i32 : i32, i32
  }
}

</mosaic_0001>

<sc_bundles>
// kernel: gather_offload_async_start
scs
__scs_entry_jumppad:
0x0: {  	(pc) =	sbr.rel $0x88, $3  }
0x1: {  	(tag) =	ssettag $0x0;
	lr =	simm.s32 $0x1  }
0x2: {  	[smem:$0x3F8A] =	sst lr;
	_ =	strace $0xD0000000  }
0x3: {  	_ = 	snop  }
0x4: {  	_ = 	snop  }
0x5: {  	_ = 	snop  }
0x6: {  	_ = 	snop  }
0x7: {  	_ = 	snop  }
__scs_overlays_trampoline_lowered:
0x8: {  	[smem:$0x3F99] =	sst s0  }
0x9: {  	[smem:$0x3F9A] =	sst s1  }
0xa: {  	[smem:$0x3F9B] =	sst s2  }
0xb: {  	[smem:$0x3F9C] =	sst s3  }
0xc: {  	[smem:$0x3F9D] =	sst s4  }
0xd: {  	[smem:$0x3F9E] =	sst s5  }
0xe: {  	[smem:$0x3F9F] =	sst s6  }
0xf: {  	[smem:$0x3FA0] =	sst s7  }
0x10: {  	[smem:$0x3FA1] =	sst s8  }
0x11: {  	[smem:$0x3FA2] =	sst s9;
	s0 =	simm.s32 @!p0 $0x0  }
0x12: {  	s1 =	sld [smem:$0x3F88];
	s0 =	simm.s32 @p0 $0x1  }
0x13: {  	[smem:$0x3FA3] =	sst s0;
	s0 =	simm.s32 @!p1 $0x0  }
0x14: {  	s2 =	sld [smem:$0x3F87];
	s0 =	simm.s32 @p1 $0x1  }
0x15: {  	[smem:$0x3FA4] =	sst s0;
	s0 =	simm.s32 @!p2 $0x0  }
0x16: {  	s3 =	sld [smem:$0x3FDB];
	s0 =	simm.s32 @p2 $0x1  }
0x17: {  	s4 =	simm.s32 $0x1BF5;
	[smem:$0x3FA6] =	sst s0  }
0x18: {  	s0 =	sld [smem:$0x3F89];
	_ =	swait.ge [sflag:s4], $0x0  }
0x19: {  	s7 =	sld [smem:$0x3F8A]  }
0x1a: {  	s8 =	sadd.s32 $0xFFFFE003, lr  }
0x1b: {  	s9 =	sadd.s32 $0xFFFFFEF7, lr;
	s5 =	simm.s32 $0xFFFFFFFF;
	p2 =	slt.u32 s8, $0xFFFFF086  }
0x1c: {  	p1 =	slt.u32 s9, $0xF7A;
	s5 =	simm.s32 @!p2 $0x0  }
0x1d: {  	s5 =	simm.s32 @p1 $0x1;
	p0 =	seq.s32 s7, s2  }
0x1e: {  	s7 =	smul.u32 @!p0 $0xF7A, s2;
	p2 =	seq.s32 @!p0 s5, $0x0  }
0x1f: {  	s9 =	smul.u32 $0xF7A, s1;
	s8 =	simm.s32 @!p0 $0x1BF5;
	p2 =	por !p2, p0  }
0x20: {  	[sflag:s8] =	ssyncset.s32 @!p0 $0xFFFFF086;
	s6 =	sadd.s32 @!p0 s3, s7;
	s7 =	simm.s32 @!p0 $0x108  }
0x21: {  	s3 =	sadd.s32 s3, s9;
	s6 =	sadd.s32 @!p0 $0x88, s6;
	s7 =	simm.s32 @p2 $0x1082  }
0x22: {  	[simem:s7], [sflag:s8] =	dma.local @!p0 [hbm:s6], $0xF7A  }
0x23: {  	s9 =	sor.u32 $0xD0000000, s2;
	s6 =	simm.s32 $0x108;
	_ =	swait.ge @!p0 [sflag:s8], $0x0  }
0x24: {  	s3 =	sadd.s32 $0x88, s3;
	s6 =	simm.s32 @!p1 $0x1082;
	[sflag:s4] =	ssyncset.s32 $0xFFFFF086  }
0x25: {  	[simem:s6], [sflag:s4] =	dma.local [hbm:s3], $0xF7A  }
0x26: {  	[smem:$0x3F8A] =	sst s1;
	(tag) =	ssettag s2;
	_ =	strace s9  }
0x27: {  	s1 =	sld [smem:$0x3F9A]  }
0x28: {  	s2 =	sld [smem:$0x3F9B]  }
0x29: {  	s4 =	sld [smem:$0x3F9D]  }
0x2a: {  	p0 =	seq.s32 s5, $0x0;
	s5 =	sld [smem:$0x3F9E]  }
0x2b: {  	s6 =	sld [smem:$0x3F9F]  }
0x2c: {  	s7 =	sld [smem:$0x3FA0]  }
0x2d: {  	s3 =	simm.s32 $0x108;
	s8 =	sld [smem:$0x3FA1]  }
0x2e: {  	s3 =	simm.s32 @!p0 $0x1082;
	s9 =	sld [smem:$0x3FA2]  }
0x2f: {  	lr =	sadd.s32 s0, s3;
	s0 =	sld [smem:$0x3F99]  }
0x30: {  	s3 =	sld [smem:$0x3F9C]  }
0x31: {  	[smem:$0x3FA5] =	sst s10  }
0x32: {  	s10 =	sld [smem:$0x3FA3];
	_ =	sdelay $0x3  }
0x33: {  	p0 =	seq.s32 s10, $0x1;
	s10 =	sld [smem:$0x3FA5];
	_ =	sdelay $0x3  }
0x34: {  	[smem:$0x3FA5] =	sst s10  }
0x35: {  	s10 =	sld [smem:$0x3FA4];
	_ =	sdelay $0x3  }
0x36: {  	p1 =	seq.s32 s10, $0x1;
	s10 =	sld [smem:$0x3FA5];
	_ =	sdelay $0x3  }
0x37: {  	[smem:$0x3FA5] =	sst s10  }
0x38: {  	s10 =	sld [smem:$0x3FA6]  }
0x39: {  	_ = 	snop;
	(pc) =	sbr.ind lr, $3  }
0x3a: {  	_ = 	snop  }
0x3b: {  	_ = 	snop  }
0x3c: {  	p2 =	seq.s32 s10, $0x1;
	s10 =	sld [smem:$0x3FA5]  }
0x3d: {  	_ =	shalt  }
0x3e: {  	_ =	shalt  }
0x3f: {  	_ =	shalt  }
0x40: {  	_ =	shalt  }
0x41: {  	_ =	shalt  }
0x42: {  	_ =	shalt  }
0x43: {  	_ =	shalt  }
0x44: {  	_ =	shalt  }
0x45: {  	_ =	shalt  }
0x46: {  	_ =	shalt  }
0x47: {  	_ =	shalt  }
0x48: {  	_ =	shalt  }
0x49: {  	_ =	shalt  }
0x4a: {  	_ =	shalt  }
0x4b: {  	_ =	shalt  }
0x4c: {  	_ =	shalt  }
0x4d: {  	_ =	shalt  }
0x4e: {  	_ =	shalt  }
0x4f: {  	_ =	shalt  }
0x50: {  	_ =	shalt  }
0x51: {  	_ =	shalt  }
0x52: {  	_ =	shalt  }
0x53: {  	_ =	shalt  }
0x54: {  	_ =	shalt  }
0x55: {  	_ =	shalt  }
0x56: {  	_ =	shalt  }
0x57: {  	_ =	shalt  }
0x58: {  	_ =	shalt  }
0x59: {  	_ =	shalt  }
0x5a: {  	_ =	shalt  }
0x5b: {  	_ =	shalt  }
0x5c: {  	_ =	shalt  }
0x5d: {  	_ =	shalt  }
0x5e: {  	_ =	shalt  }
0x5f: {  	_ =	shalt  }
0x60: {  	_ =	shalt  }
0x61: {  	_ =	shalt  }
0x62: {  	_ =	shalt  }
0x63: {  	_ =	shalt  }
0x64: {  	_ =	shalt  }
0x65: {  	_ =	shalt  }
0x66: {  	_ =	shalt  }
0x67: {  	_ =	shalt  }
0x68: {  	_ =	shalt  }
0x69: {  	_ =	shalt  }
0x6a: {  	_ =	shalt  }
0x6b: {  	_ =	shalt  }
0x6c: {  	_ =	shalt  }
0x6d: {  	_ =	shalt  }
0x6e: {  	_ =	shalt  }
0x6f: {  	_ =	shalt  }
0x70: {  	_ =	shalt  }
0x71: {  	_ =	shalt  }
0x72: {  	_ =	shalt  }
0x73: {  	_ =	shalt  }
0x74: {  	_ =	shalt  }
0x75: {  	_ =	shalt  }
0x76: {  	_ =	shalt  }
0x77: {  	_ =	shalt  }
0x78: {  	_ =	shalt  }
0x79: {  	_ =	shalt  }
0x7a: {  	_ =	shalt  }
0x7b: {  	_ =	shalt  }
0x7c: {  	_ =	shalt  }
0x7d: {  	_ =	shalt  }
0x7e: {  	_ =	shalt  }
0x7f: {  	_ =	shalt  }
0x80: {  	_ =	shalt  }
0x81: {  	_ =	shalt  }
0x82: {  	_ =	shalt  }
0x83: {  	_ =	shalt  }
0x84: {  	_ =	shalt  }
0x85: {  	_ =	shalt  }
0x86: {  	_ =	shalt  }
0x87: {  	_ =	shalt  }
.Lfunc_end0:
.L_simem_size_0:
called_computation_lowered:
.L_overlay_start_0:
0x88: {  	s2 =	sld [smem:$0x3FD9]  }
0x89: {  	s3 =	sld [smem:$0x3FFE];
	_ =	sdelay $0x1  }
0x8a: {  	s1 =	srdreg.scid  }
0x8b: {  	s0 =	sand.u32 $0x1, s1  }
0x8c: {  	s16 =	sshll.u32 s0, $0xA;
	s2 =	sadd.s32 s3, s2  }
0x8d: {  	s2 =	sadd.s32 s2, s16  }
0x8e: {  	[smem:$0x3FB1] =	sst s2  }
0x8f: {  	_ = 	snop  }
0x90: {  	(tm) =	ssettm $0x1  }
0x91: {  	s17 =	sld [smem:$0x3FFB];
	_ =	sdelay $0x3  }
0x92: {  	_ =	strace s17  }
0x93: {  	s2 =	sld [smem:$0x3FFC];
	_ =	sdelay $0x3  }
0x94: {  	_ =	strace s2  }
0x95: {  	s2 =	sld [smem:$0x3FFD];
	_ =	sdelay $0x3  }
0x96: {  	_ =	strace s2  }
0x97: {  	_ =	strace $0x8FFFFFFF  }
0x98: {  	s18 =	sld [smem:$0x3FDB];
	_ =	sdelay $0x1  }
0x99: {  	s19 =	simm.s32 $_scs_section_size  }
0x9a: {  	s4 =	simm.s32 $_size__tile_overlayer_lowered;
	s5 =	simm.s32 $_tile_overlayer_lowered  }
0x9b: {  	s22 =	simm.s32 $0x1BFF;
	s21 =	sshll.u32 s5, $0x1;
	s2 =	sadd.s32 s19, s18  }
0x9c: {  	s6 =	simm.s32 $0x0;
	s20 =	sshll.u32 s4, $0x1;
	s4 =	sadd.s32 s21, s2  }
0x9d: {  	[timem:s6], [sflag:s22] =	dma.local [hbm:s4], s20  }
0x9e: {  	_ =	swait.ge [sflag:s22], s20  }
0x9f: {  	s3 =	ssub.s32 $0x0, s20;
	[sflag:s22] =	ssyncset.done $0x0  }
0xa0: {  	[sflag:s22] =	ssyncadd.s32 s3;
	_ =	sdelay $0x1  }
0xa1: {  	s23 =	simm.s32 $0x1B8B  }
0xa2: {  	_ =	swait.ge [sflag:s23], $0x1  }
0xa3: {  	[sflag:s23] =	ssyncset.done $0x0  }
0xa4: {  	s25 =	simm.s32 $0x1B8E;
	s24 =	sld [smem:$0x3FFE];
	[sflag:s23] =	ssyncadd.s32 $0xFFFFFFFF  }
0xa5: {  	s26 =	simm.s32 $execute0_lowered;
	[smem:$0x3FD2] =	sst s25  }
0xa6: {  	s4 =	sshll.u32 s26, $0x1;
	_ =	strace $0x80000046;
	[dreg:$0x1] =	wrdreg $0xFFFFFFFF  }
0xa7: {  	s28 =	simm.s32 $_size_execute0_lowered;
	s2 =	sadd.s32 s2, s4;
	[dreg:$0x0] =	wrdreg $0x0  }
0xa8: {  	s4 =	sshll.u32 s28, $0x1;
	[dreg:$0x2] =	wrdreg s2  }
0xa9: {  	[dreg:$0x3] =	wrdreg s4  }
0xaa: {  	[dreg:$0x4] =	wrdreg $0xC0  }
0xab: {  	_ =	task [dreg:s6], $0x5FFFF  }
0xac: {  	[dreg:$0x1] =	wrdreg $0xFFFFFFFF  }
0xad: {  	[dreg:$0x0] =	wrdreg $0x60  }
0xae: {  	[dreg:$0x2] =	wrdreg s24  }
0xaf: {  	[dreg:$0x3] =	wrdreg $0x9  }
0xb0: {  	_ =	task.clear_ibuf [dreg:s6], $0x4FFFF;
	_ =	strace $0x90000046  }
0xb1: {  	s29 =	simm.s32 $0x9;
	_ =	strace $0x80000048  }
0xb2: {  	_ =	swait.ge [sflag:s29], $0x1  }
0xb3: {  	[sflag:s29] =	ssyncadd.s32 $0xFFFFFFFF  }
0xb4: {  	_ =	strace $0x90000048  }
0xb5: {  	_ =	sfence  }
0xb6: {  	s30 =	sld [smem:$0x0];
	_ =	sdelay $0x2  }
0xb7: {  	s31 =	sshll.u32 s1, $0xD;
	s1 =	sshrl.u32 s1, $0x2  }
0xb8: {  	s3 =	sand.u32 $0x4000, s31;
	s1 =	sadd.s32 s1, s30  }
0xb9: {  	s0 =	sor.u32 s3, s0;
	s1 =	sshll.u32 s1, $0x11  }
0xba: {  	s0 =	sor.u32 s1, s0  }
0xbb: {  	s0 =	sadd.s32 $0x8F2B, s0  }
0xbc: {  	[sflag:s0] =	ssyncadd.remote.s32 $0x1  }
0xbd: {  	_ =	sfence.sel $0xFFFF  }
0xbe: {  	[dreg:$0x0] =	wrdreg $0xFFFFFFFF;
	(pc) =	sbr.abs _section_cstart, $3  }
0xbf: {  	[dreg:$0x1] =	wrdreg $0xFFFFFFFF  }
0xc0: {  	_ =	task.clear_ibuf [dreg:s6], $0x2FFFF;
	_ =	strace $0x9FFFFFFF  }
0xc1: {  	(tm) =	ssettm $0x7FFFFFFF  }
tec
execute0_lowered:
.L_overlay_start_1:
0x0: {  	(tag) =	ssettag $0x1  }
0x1: {  	s0 =	srdreg.scid;
	s5 =	rddreg [dreg:$0x0]  }
0x2: {  	s1 =	stileid.u32;
	s6 =	simm.s32 $0x1;
	s9 =	simm.s32 $0x1  }
0x3: {  	s10 =	simm.s32 $0x3;
	s13 =	simm.s32 $0x0;
	s2 =	sshll.u32 s0, $0x6  }
0x4: {  	s12 =	simm.s32 $0x0;
	s3 =	sshll.u32 s1, $0x7;
	s2 =	sand.u32 $0x40, s2  }
0x5: {  	s0 =	rddreg [dreg:$0x1];
	_ =	strace $0x80000047;
	s2 =	sor.u32 s3, s2  }
0x6: {  	s4 =	sadd.s32 $0x30200, s5;
	[sflag:s6] =	ssyncpa.u1 $0x0;
	s8 =	ssub.s32 $0x1000, s2  }
.Ltmp0:
0x7: {  	s3 =	sadd.s32 $0x30400, s5;
	s7 =	sand.u32 $0x7C0, s8;
	(pc) =	sbr.rel .LBB2_1-.Ltmp0, $4  }
0x8: {  	s5 =	sadd.s32 $0x40400, s5;
	s11 =	smov.u32 s2;
	p0 =	sne.s32 s7, $0x0  }
0x9: {  	s8 =	sshrl.u32 s8, $0xB;
	s7 =	simm.s32 $0x2;
	s9 =	simm.s32 @!p0 $0x0  }
0xa: {  	[sflag:s7] =	ssyncpa.u1 $0x0;
	p0 =	por $0x0, $0x0;
	s8 =	sadd.s32 s9, s8  }
0xb: {  	vm0 =	vmmov $0xffff;
	[sflag:s10] =	ssyncpa.u1 $0x0;
	s10 =	simm.s32 $0x0;
	s9 =	sadd.s32 $0x1, s8  }
.LBB2_4:
0xc: {  	v5 =	vshrl.u32 v1, $0xC;
	v6 =	vshll.u32 v1, $0x7  }
0xd: {  	vm1 =	veq.s32 v1, $0x80000000;
	v58 =	vand.u32 $0xF, v5;
	v59 =	vand.u32 $0x7FF80, v6  }
0xe: {  	v1 =	vsel vm1, $0xFFFFFFFF, v58;
	v5 =	vsel vm1, $0xFFFFFF80, v59  }
0xf: {  	v3 =	vor.u32 v4, v3;
	v60 =	vand.u32 $0xFFFFFC00, v5;
	v61 =	vand.u32 $0xFFFFFC00, v1  }
0x10: {  	v2 =	vor.u32 v2, v3;
	v63 =	vand.u32 $0x380, v5;
	v62 =	vadd.s32 v61, v60  }
0x11: {  	v1 =	vand.u32 $0x7F, v1;
	v3 =	vor.u32 v63, v62  }
0x12: {  	v1 =	vor.u32 v1, v3  }
0x13: {  	[tilespmem:s15], [sflag:$0x1] =	stream.indirect_vreg.gather [hbm4b:s3+s10], $0x1, v0, vm0, $0x4038;
	[tilespmem:$0x100] =	vst v63  }
0x14: {  	(ifvalue) =	ssetifvalue $0x7FFFFFFF  }
0x15: {  	[tilespmem:s16], [sflag:$0x1] =	stream.indirect_vreg.gather [hbm4b:s3+s10], $0x1, v2, vm0, $0x4038;
	[tilespmem:$0x100] =	vst v63  }
0x16: {  	s29 =	sadd.s32 $0x10, s16;
	(ifvalue) =	ssetifvalue $0x7FFFFFFF  }
0x17: {  	[tilespmem:s29], [sflag:$0x1] =	stream.indirect_vreg.gather [hbm4b:s3+s10], $0x1, v1, vm0, $0x4038;
	[tilespmem:$0x100] =	vst v63  }
0x18: {  	_ =	swait.ge [sflag:s6], $0x40  }
0x19: {  	s30 =	sshrl.u32 s13, $0x3;
	[sflag:s6] =	ssyncset.done $0x0  }
0x1a: {  	s31 =	sand.u32 $0x7, s13;
	s15 =	sadd.s32 s5, s30;
	[sflag:s6] =	ssyncadd.s32 $0xFFFFFFC0  }
0x1b: {  	[hbm4b:s15+s31] =	stream.linear.scatter [tilespmem:s14], [sflag:$0x3], $0x40, $0x38;
	[tilespmem:$0x100] =	vst v63  }
.LBB2_5:
0x1c: {  	s15 =	sadd.s32 $0x800, s11  }
0x1d: {  	p2 =	sgt.s32 s15, $0xFFF  }
0x1e: {  	s15 =	smov.u32 @p2 s2;
	p2 =	sne.s32 s12, s9  }
.Ltmp1:
0x1f: {  	p1 =	slt.u32 s12, $0x2;
	(pc) =	sbr.rel @!p2 .LBB2_6-.Ltmp1, $4  }
0x20: {  	s14 =	simm.s32 @!p1 $0x3  }
0x21: {  	s16 =	sadd.s32 $0x1, s12;
	_ =	swait.ge @!p1 [sflag:s14], $0x40  }
0x22: {  	s13 =	smov.u32 s11;
	p0 =	por !p0, !p0;
	[sflag:s14] =	ssyncset.done @!p1 $0x0  }
0x23: {  	s12 =	smov.u32 s16;
	s11 =	smov.u32 s15;
	[sflag:s14] =	ssyncadd.s32 @!p1 $0xFFFFFFC0  }
.LBB2_1:
0x24: {  	p1 =	sge.u32 s12, s8  }
0x25: {  	s14 =	sxor.u32 @!p1 $0xFFFFFFFF, s12  }
0x26: {  	s31 =	sadd.s32 $0xFFFFFFFF, s12;
	s15 =	sshrl.u32 @!p1 s11, $0x3;
	s14 =	sshll.u32 @!p1 s14, $0x6  }
0x27: {  	s16 =	sand.u32 @!p1 $0x7, s11;
	s15 =	sadd.s32 @!p1 s4, s15;
	s14 =	sand.u32 @!p1 $0x40, s14  }
0x28: {  	[tilespmem:s14], [sflag:$0x2] =	stream.linear.gather @!p1 [hbm4b:s15+s16], $0x40, $0x38;
	[tilespmem:$0x100] =	vst v63  }
0x29: {  	p1 =	sge.u32 s31, s8  }
.Ltmp2:
0x2a: {  	_ = 	snop;
	(pc) =	sbr.rel @p1 .LBB2_5-.Ltmp2, $1  }
0x2b: {  	_ =	sdelay $0x3  }
0x2c: {  	s14 =	simm.s32 $0x1  }
0x2d: {  	_ =	swait.ge [sflag:s7], $0x40;
	s14 =	simm.s32 @!p0 $0x0  }
0x2e: {  	[sflag:s7] =	ssyncset.done $0x0;
	s14 =	sshll.u32 s14, $0x6  }
0x2f: {  	[sflag:s7] =	ssyncadd.s32 $0xFFFFFFC0;
	(ifvalue) =	ssetifvalue $0x7FFFFFFF;
	v0 =	vld.msk [tilespmem:s14+$0x0 ss:$0x1], $0xffff;
	_ =	sdelay $0x4  }
0x30: {  	s15 =	sadd.s32 $0x10, s14;
	v2 =	vshrl.u32 v0, $0xC;
	v3 =	vshll.u32 v0, $0x7  }
0x31: {  	v1 =	vld.msk [tilespmem:s15+$0x0 ss:$0x1], $0xffff;
	vm1 =	veq.s32 v0, $0x80000000;
	v0 =	vand.u32 $0xF, v2;
	v2 =	vand.u32 $0x7FF80, v3  }
0x32: {  	v0 =	vsel vm1, $0xFFFFFFFF, v0;
	v2 =	vsel vm1, $0xFFFFFF80, v2  }
0x33: {  	v3 =	vand.u32 $0xFFFFFC00, v2;
	v4 =	vand.u32 $0xFFFFFC00, v0  }
0x34: {  	v2 =	vand.u32 $0x380, v2;
	v3 =	vadd.s32 v4, v3  }
0x35: {  	v0 =	vand.u32 $0x7F, v0;
	v2 =	vor.u32 v2, v3  }
0x36: {  	v5 =	vshll.u32 v1, $0x7;
	v4 =	vshrl.u32 v1, $0xC;
	v0 =	vor.u32 v0, v2  }
0x37: {  	s16 =	sshll.u32 s12, $0x6;
	vm1 =	veq.s32 v1, $0x80000000;
	v1 =	vand.u32 $0xF, v4;
	v4 =	vand.u32 $0x7FF80, v5  }
0x38: {  	s16 =	sand.u32 $0x40, s16;
	s18 =	sadd.s32 $0x10, s15;
	v3 =	vsel vm1, $0xFFFFFFFF, v1;
	v4 =	vsel vm1, $0xFFFFFF80, v4  }
0x39: {  	s17 =	simm.s32 $0x20;
	s15 =	sor.u32 $0x80, s14;
	s14 =	sor.u32 $0x80, s16;
	v1 =	vld.msk [tilespmem:s18+$0x0 ss:$0x1], $0xffff;
	v5 =	vand.u32 $0xFFFFFC00, v4;
	v6 =	vand.u32 $0xFFFFFC00, v3  }
0x3a: {  	s16 =	sadd.s32 $0x10, s15;
	s18 =	sadd.s32 $0x10, s18;
	(ifvalue) =	ssetifvalue $0x7FFFFFFF;
	v2 =	vand.u32 $0x7F, v3;
	v4 =	vand.u32 $0x380, v4;
	v3 =	vadd.s32 v6, v5  }
.LBB2_3:
0x3b: {  	[tilespmem:s15], [sflag:$0x1] =	stream.indirect_vreg.gather [hbm4b:s3+s10], $0x1, v0, vm0, $0x4038;
	[tilespmem:$0x100] =	vst v63  }
0x3c: {  	s17 =	sadd.s32 $0x10, s17  }
0x3d: {  	v3 =	vor.u32 v4, v3;
	p1 =	slt.u32 s17, $0x30  }
.Ltmp3:
0x3e: {  	v4 =	vshrl.u32 v1, $0xC;
	v5 =	vshll.u32 v1, $0x7;
	s15 =	smov.u32 s16;
	v0 =	vor.u32 v2, v3;
	v2 =	vmovc v1;
	v1 =	vld.msk [tilespmem:s18+$0x0 ss:$0x1], $0xffff;
	(pc) =	sbr.rel @p1 .LBB2_3-.Ltmp3, $4  }
0x3f: {  	v3 =	vand.u32 $0x7FF80, v5;
	vm1 =	veq.s32 v2, $0x80000000;
	v2 =	vand.u32 $0xF, v4  }
0x40: {  	v4 =	vsel vm1, $0xFFFFFFFF, v2;
	v5 =	vsel vm1, $0xFFFFFF80, v3  }
0x41: {  	v2 =	vand.u32 $0x7F, v4;
	v3 =	vand.u32 $0xFFFFFC00, v5;
	v4 =	vand.u32 $0xFFFFFC00, v4  }
0x42: {  	s16 =	sadd.s32 $0x10, s16;
	s18 =	sadd.s32 $0x10, s18;
	v3 =	vadd.s32 v4, v3;
	v4 =	vand.u32 $0x380, v5;
	(ifvalue) =	ssetifvalue $0x7FFFFFFF  }
.Ltmp4:
0x43: {  	_ = 	snop;
	(pc) =	sbr.rel .LBB2_4-.Ltmp4, $1  }
0x44: {  	_ =	sdelay $0x3  }
.LBB2_6:
0x45: {  	_ =	sfence.sel $0x180000  }
0x46: {  	s2 =	simm.s32 $0x2;
	[bflag:$0x0] =	sbarrier.arrive $0xFFFF  }
0x47: {  	s30 =	simm.s32 $0x3;
	[sflag:s2] =	ssyncpa.u1 $0x1  }
0x48: {  	s31 =	simm.s32 $0x1;
	[sflag:s30] =	ssyncpa.u1 $0x1  }
0x49: {  	[sflag:s31] =	ssyncpa.u1 $0x1  }
0x4a: {  	p0 =	sne.s32 s1, $0x0;
	_ =	strace $0x90000047  }
0x4b: {  	s0 =	sadd.s32 @!p0 $0x100000, s0;
	[bflag:$0x2] =	sbarrier.arrive $0xFFFF  }
0x4c: {  	[sflag:s0] =	ssyncadd.tile.s32 @!p0 $0x1;
	_ =	shalt  }
.Lfunc_end2:
_tile_overlayer_lowered:
.L_overlay_start_2:
0x4d: {  	(tag) =	ssettag $0x2  }
0x4e: {  	s0 =	rddreg [dreg:$0x0];
	s2 =	stileid.u32  }
0x4f: {  	s1 =	rddreg [dreg:$0x1];
	p0 =	sne.s32 s2, $0x0  }
0x50: {  	s3 =	rddreg [dreg:$0x2];
	[bflag:$0x3] =	sbarrier.arrive $0xFFFF;
	s2 =	simm.s32 @!p0 $0x1C01  }
0x51: {  	[timem:s3], [sflag:s2] =	dma.local @!p0 [hbm:s0], s1  }
0x52: {  	s0 =	simm.s32 @!p0 $0x1  }
0x53: {  	_ =	swait.ge @!p0 [sflag:s0], s1  }
0x54: {  	s1 =	ssub.s32 @!p0 $0x0, s1;
	[sflag:s0] =	ssyncset.done @!p0 $0x0  }
0x55: {  	[sflag:s0] =	ssyncadd.s32 @!p0 s1  }
0x56: {  	[bflag:$0x3] =	sbarrier.arrive $0xFFFF  }
0x57: {  	_ =	shalt  }

// kernel: kernel.12.cloned.1.call-start
scs
__scs_entry_jumppad:
0x0: {  	(pc) =	sbr.rel $0x88, $3  }
0x1: {  	(tag) =	ssettag $0x0;
	lr =	simm.s32 $0x1  }
0x2: {  	[smem:$0x3F8A] =	sst lr;
	_ =	strace $0xD0000000  }
0x3: {  	_ = 	snop  }
0x4: {  	_ = 	snop  }
0x5: {  	_ = 	snop  }
0x6: {  	_ = 	snop  }
0x7: {  	_ = 	snop  }
__scs_overlays_trampoline_lowered:
0x8: {  	[smem:$0x3F99] =	sst s0  }
0x9: {  	[smem:$0x3F9A] =	sst s1  }
0xa: {  	[smem:$0x3F9B] =	sst s2  }
0xb: {  	[smem:$0x3F9C] =	sst s3  }
0xc: {  	[smem:$0x3F9D] =	sst s4  }
0xd: {  	[smem:$0x3F9E] =	sst s5  }
0xe: {  	[smem:$0x3F9F] =	sst s6  }
0xf: {  	[smem:$0x3FA0] =	sst s7  }
0x10: {  	[smem:$0x3FA1] =	sst s8  }
0x11: {  	[smem:$0x3FA2] =	sst s9;
	s0 =	simm.s32 @!p0 $0x0  }
0x12: {  	s1 =	sld [smem:$0x3F88];
	s0 =	simm.s32 @p0 $0x1  }
0x13: {  	[smem:$0x3FA3] =	sst s0;
	s0 =	simm.s32 @!p1 $0x0  }
0x14: {  	s2 =	sld [smem:$0x3F87];
	s0 =	simm.s32 @p1 $0x1  }
0x15: {  	[smem:$0x3FA4] =	sst s0;
	s0 =	simm.s32 @!p2 $0x0  }
0x16: {  	s3 =	sld [smem:$0x3FDB];
	s0 =	simm.s32 @p2 $0x1  }
0x17: {  	s4 =	simm.s32 $0x1BF5;
	[smem:$0x3FA6] =	sst s0  }
0x18: {  	s0 =	sld [smem:$0x3F89];
	_ =	swait.ge [sflag:s4], $0x0  }
0x19: {  	s7 =	sld [smem:$0x3F8A]  }
0x1a: {  	s8 =	sadd.s32 $0xFFFFE003, lr  }
0x1b: {  	s9 =	sadd.s32 $0xFFFFFEF7, lr;
	s5 =	simm.s32 $0xFFFFFFFF;
	p2 =	slt.u32 s8, $0xFFFFF086  }
0x1c: {  	p1 =	slt.u32 s9, $0xF7A;
	s5 =	simm.s32 @!p2 $0x0  }
0x1d: {  	s5 =	simm.s32 @p1 $0x1;
	p0 =	seq.s32 s7, s2  }
0x1e: {  	s7 =	smul.u32 @!p0 $0xF7A, s2;
	p2 =	seq.s32 @!p0 s5, $0x0  }
0x1f: {  	s9 =	smul.u32 $0xF7A, s1;
	s8 =	simm.s32 @!p0 $0x1BF5;
	p2 =	por !p2, p0  }
0x20: {  	[sflag:s8] =	ssyncset.s32 @!p0 $0xFFFFF086;
	s6 =	sadd.s32 @!p0 s3, s7;
	s7 =	simm.s32 @!p0 $0x108  }
0x21: {  	s3 =	sadd.s32 s3, s9;
	s6 =	sadd.s32 @!p0 $0x88, s6;
	s7 =	simm.s32 @p2 $0x1082  }
0x22: {  	[simem:s7], [sflag:s8] =	dma.local @!p0 [hbm:s6], $0xF7A  }
0x23: {  	s9 =	sor.u32 $0xD0000000, s2;
	s6 =	simm.s32 $0x108;
	_ =	swait.ge @!p0 [sflag:s8], $0x0  }
0x24: {  	s3 =	sadd.s32 $0x88, s3;
	s6 =	simm.s32 @!p1 $0x1082;
	[sflag:s4] =	ssyncset.s32 $0xFFFFF086  }
0x25: {  	[simem:s6], [sflag:s4] =	dma.local [hbm:s3], $0xF7A  }
0x26: {  	[smem:$0x3F8A] =	sst s1;
	(tag) =	ssettag s2;
	_ =	strace s9  }
0x27: {  	s1 =	sld [smem:$0x3F9A]  }
0x28: {  	s2 =	sld [smem:$0x3F9B]  }
0x29: {  	s4 =	sld [smem:$0x3F9D]  }
0x2a: {  	p0 =	seq.s32 s5, $0x0;
	s5 =	sld [smem:$0x3F9E]  }
0x2b: {  	s6 =	sld [smem:$0x3F9F]  }
0x2c: {  	s7 =	sld [smem:$0x3FA0]  }
0x2d: {  	s3 =	simm.s32 $0x108;
	s8 =	sld [smem:$0x3FA1]  }
0x2e: {  	s3 =	simm.s32 @!p0 $0x1082;
	s9 =	sld [smem:$0x3FA2]  }
0x2f: {  	lr =	sadd.s32 s0, s3;
	s0 =	sld [smem:$0x3F99]  }
0x30: {  	s3 =	sld [smem:$0x3F9C]  }
0x31: {  	[smem:$0x3FA5] =	sst s10  }
0x32: {  	s10 =	sld [smem:$0x3FA3];
	_ =	sdelay $0x3  }
0x33: {  	p0 =	seq.s32 s10, $0x1;
	s10 =	sld [smem:$0x3FA5];
	_ =	sdelay $0x3  }
0x34: {  	[smem:$0x3FA5] =	sst s10  }
0x35: {  	s10 =	sld [smem:$0x3FA4];
	_ =	sdelay $0x3  }
0x36: {  	p1 =	seq.s32 s10, $0x1;
	s10 =	sld [smem:$0x3FA5];
	_ =	sdelay $0x3  }
0x37: {  	[smem:$0x3FA5] =	sst s10  }
0x38: {  	s10 =	sld [smem:$0x3FA6]  }
0x39: {  	_ = 	snop;
	(pc) =	sbr.ind lr, $3  }
0x3a: {  	_ = 	snop  }
0x3b: {  	_ = 	snop  }
0x3c: {  	p2 =	seq.s32 s10, $0x1;
	s10 =	sld [smem:$0x3FA5]  }
0x3d: {  	_ =	shalt  }
0x3e: {  	_ =	shalt  }
0x3f: {  	_ =	shalt  }
0x40: {  	_ =	shalt  }
0x41: {  	_ =	shalt  }
0x42: {  	_ =	shalt  }
0x43: {  	_ =	shalt  }
0x44: {  	_ =	shalt  }
0x45: {  	_ =	shalt  }
0x46: {  	_ =	shalt  }
0x47: {  	_ =	shalt  }
0x48: {  	_ =	shalt  }
0x49: {  	_ =	shalt  }
0x4a: {  	_ =	shalt  }
0x4b: {  	_ =	shalt  }
0x4c: {  	_ =	shalt  }
0x4d: {  	_ =	shalt  }
0x4e: {  	_ =	shalt  }
0x4f: {  	_ =	shalt  }
0x50: {  	_ =	shalt  }
0x51: {  	_ =	shalt  }
0x52: {  	_ =	shalt  }
0x53: {  	_ =	shalt  }
0x54: {  	_ =	shalt  }
0x55: {  	_ =	shalt  }
0x56: {  	_ =	shalt  }
0x57: {  	_ =	shalt  }
0x58: {  	_ =	shalt  }
0x59: {  	_ =	shalt  }
0x5a: {  	_ =	shalt  }
0x5b: {  	_ =	shalt  }
0x5c: {  	_ =	shalt  }
0x5d: {  	_ =	shalt  }
0x5e: {  	_ =	shalt  }
0x5f: {  	_ =	shalt  }
0x60: {  	_ =	shalt  }
0x61: {  	_ =	shalt  }
0x62: {  	_ =	shalt  }
0x63: {  	_ =	shalt  }
0x64: {  	_ =	shalt  }
0x65: {  	_ =	shalt  }
0x66: {  	_ =	shalt  }
0x67: {  	_ =	shalt  }
0x68: {  	_ =	shalt  }
0x69: {  	_ =	shalt  }
0x6a: {  	_ =	shalt  }
0x6b: {  	_ =	shalt  }
0x6c: {  	_ =	shalt  }
0x6d: {  	_ =	shalt  }
0x6e: {  	_ =	shalt  }
0x6f: {  	_ =	shalt  }
0x70: {  	_ =	shalt  }
0x71: {  	_ =	shalt  }
0x72: {  	_ =	shalt  }
0x73: {  	_ =	shalt  }
0x74: {  	_ =	shalt  }
0x75: {  	_ =	shalt  }
0x76: {  	_ =	shalt  }
0x77: {  	_ =	shalt  }
0x78: {  	_ =	shalt  }
0x79: {  	_ =	shalt  }
0x7a: {  	_ =	shalt  }
0x7b: {  	_ =	shalt  }
0x7c: {  	_ =	shalt  }
0x7d: {  	_ =	shalt  }
0x7e: {  	_ =	shalt  }
0x7f: {  	_ =	shalt  }
0x80: {  	_ =	shalt  }
0x81: {  	_ =	shalt  }
0x82: {  	_ =	shalt  }
0x83: {  	_ =	shalt  }
0x84: {  	_ =	shalt  }
0x85: {  	_ =	shalt  }
0x86: {  	_ =	shalt  }
0x87: {  	_ =	shalt  }
.Lfunc_end0:
.L_simem_size_0:
called_computation.2_lowered:
.L_overlay_start_0:
0x88: {  	s2 =	sld [smem:$0x3FD9]  }
0x89: {  	s3 =	sld [smem:$0x3FFE];
	_ =	sdelay $0x1  }
0x8a: {  	s1 =	srdreg.scid  }
0x8b: {  	s0 =	sand.u32 $0x1, s1  }
0x8c: {  	s16 =	sshll.u32 s0, $0xA;
	s2 =	sadd.s32 s3, s2  }
0x8d: {  	s2 =	sadd.s32 s2, s16  }
0x8e: {  	[smem:$0x3FB1] =	sst s2  }
0x8f: {  	_ = 	snop  }
0x90: {  	(tm) =	ssettm $0x1  }
0x91: {  	s17 =	sld [smem:$0x3FFB];
	_ =	sdelay $0x3  }
0x92: {  	_ =	strace s17  }
0x93: {  	s2 =	sld [smem:$0x3FFC];
	_ =	sdelay $0x3  }
0x94: {  	_ =	strace s2  }
0x95: {  	s2 =	sld [smem:$0x3FFD];
	_ =	sdelay $0x3  }
0x96: {  	_ =	strace s2  }
0x97: {  	_ =	strace $0x8FFFFFFF  }
0x98: {  	s18 =	sld [smem:$0x3FDB];
	_ =	sdelay $0x1  }
0x99: {  	s19 =	simm.s32 $_scs_section_size  }
0x9a: {  	s4 =	simm.s32 $_size__tile_overlayer_lowered;
	s5 =	simm.s32 $_tile_overlayer_lowered  }
0x9b: {  	s22 =	simm.s32 $0x1BFF;
	s21 =	sshll.u32 s5, $0x1;
	s2 =	sadd.s32 s19, s18  }
0x9c: {  	s6 =	simm.s32 $0x0;
	s20 =	sshll.u32 s4, $0x1;
	s4 =	sadd.s32 s21, s2  }
0x9d: {  	[timem:s6], [sflag:s22] =	dma.local [hbm:s4], s20  }
0x9e: {  	_ =	swait.ge [sflag:s22], s20  }
0x9f: {  	s3 =	ssub.s32 $0x0, s20;
	[sflag:s22] =	ssyncset.done $0x0  }
0xa0: {  	[sflag:s22] =	ssyncadd.s32 s3;
	_ =	sdelay $0x1  }
0xa1: {  	s23 =	simm.s32 $0x1B8B  }
0xa2: {  	_ =	swait.ge [sflag:s23], $0x1  }
0xa3: {  	[sflag:s23] =	ssyncset.done $0x0  }
0xa4: {  	s25 =	simm.s32 $0x1B8E;
	s24 =	sld [smem:$0x3FFE];
	[sflag:s23] =	ssyncadd.s32 $0xFFFFFFFF  }
0xa5: {  	s26 =	simm.s32 $execute0_lowered;
	[smem:$0x3FD2] =	sst s25  }
0xa6: {  	s4 =	sshll.u32 s26, $0x1;
	_ =	strace $0x8000004C;
	[dreg:$0x1] =	wrdreg $0xFFFFFFFF  }
0xa7: {  	s28 =	simm.s32 $_size_execute0_lowered;
	s2 =	sadd.s32 s2, s4;
	[dreg:$0x0] =	wrdreg $0x0  }
0xa8: {  	s4 =	sshll.u32 s28, $0x1;
	[dreg:$0x2] =	wrdreg s2  }
0xa9: {  	[dreg:$0x3] =	wrdreg s4  }
0xaa: {  	[dreg:$0x4] =	wrdreg $0xC0  }
0xab: {  	_ =	task [dreg:s6], $0x5FFFF  }
0xac: {  	[dreg:$0x1] =	wrdreg $0xFFFFFFFF  }
0xad: {  	[dreg:$0x0] =	wrdreg $0x60  }
0xae: {  	[dreg:$0x2] =	wrdreg s24  }
0xaf: {  	[dreg:$0x3] =	wrdreg $0x9  }
0xb0: {  	_ =	task.clear_ibuf [dreg:s6], $0x4FFFF;
	_ =	strace $0x9000004C  }
0xb1: {  	s29 =	simm.s32 $0x9;
	_ =	strace $0x8000004E  }
0xb2: {  	_ =	swait.ge [sflag:s29], $0x1  }
0xb3: {  	[sflag:s29] =	ssyncadd.s32 $0xFFFFFFFF  }
0xb4: {  	_ =	strace $0x9000004E  }
0xb5: {  	_ =	sfence  }
0xb6: {  	s30 =	sld [smem:$0x0];
	_ =	sdelay $0x2  }
0xb7: {  	s31 =	sshll.u32 s1, $0xD;
	s1 =	sshrl.u32 s1, $0x2  }
0xb8: {  	s3 =	sand.u32 $0x4000, s31;
	s1 =	sadd.s32 s1, s30  }
0xb9: {  	s0 =	sor.u32 s3, s0;
	s1 =	sshll.u32 s1, $0x11  }
0xba: {  	s0 =	sor.u32 s1, s0  }
0xbb: {  	s0 =	sadd.s32 $0x8F2B, s0  }
0xbc: {  	[sflag:s0] =	ssyncadd.remote.s32 $0x1  }
0xbd: {  	_ =	sfence.sel $0xFFFF  }
0xbe: {  	[dreg:$0x0] =	wrdreg $0xFFFFFFFF;
	(pc) =	sbr.abs _section_cstart, $3  }
0xbf: {  	[dreg:$0x1] =	wrdreg $0xFFFFFFFF  }
0xc0: {  	_ =	task.clear_ibuf [dreg:s6], $0x2FFFF;
	_ =	strace $0x9FFFFFFF  }
0xc1: {  	(tm) =	ssettm $0x7FFFFFFF  }
tec
execute0_lowered:
.L_overlay_start_1:
0x0: {  	(tag) =	ssettag $0x1  }
0x1: {  	s1 =	srdreg.scid  }
0x2: {  	s0 =	stileid.u32;
	s1 =	sand.u32 $0x1, s1  }
0x3: {  	s2 =	sshll.u32 s0, $0x5;
	s3 =	sshll.u32 s1, $0x4  }
0x4: {  	s5 =	rddreg [dreg:$0x0];
	s3 =	sor.u32 s3, s2;
	s2 =	simm.s32 $0x0  }
0x5: {  	s26 =	simm.s32 $0x880;
	[smem:$0x7FF] =	sst s2  }
0x6: {  	s0 =	simm.s32 $0x1080;
	_ =	strace $0x8000004D;
	[dreg:$0x4] =	wrdreg s26  }
0x7: {  	s6 =	simm.s32 $0x2080;
	[dreg:$0x5] =	wrdreg s0  }
0x8: {  	s7 =	simm.s32 $0x2880;
	[dreg:$0x7] =	wrdreg s6  }
0x9: {  	s8 =	simm.s32 $0x3080;
	[dreg:$0x8] =	wrdreg s7  }
0xa: {  	s9 =	simm.s32 $0x3880;
	[dreg:$0x9] =	wrdreg s8  }
0xb: {  	s10 =	simm.s32 $0x4080;
	[dreg:$0xa] =	wrdreg s9  }
0xc: {  	s11 =	simm.s32 $0x4880;
	[dreg:$0xb] =	wrdreg s10  }
0xd: {  	s12 =	simm.s32 $0x5080;
	[dreg:$0xc] =	wrdreg s11  }
0xe: {  	s13 =	simm.s32 $0x5880;
	[dreg:$0xd] =	wrdreg s12  }
0xf: {  	s14 =	simm.s32 $0x6080;
	[dreg:$0xe] =	wrdreg s13  }
0x10: {  	s15 =	simm.s32 $0x6880;
	[dreg:$0xf] =	wrdreg s14  }
0x11: {  	s16 =	simm.s32 $0x7080;
	[dreg:$0x10] =	wrdreg s15  }
0x12: {  	s17 =	simm.s32 $0x7880;
	s18 =	simm.s32 $0x8080;
	[dreg:$0x11] =	wrdreg s16  }
0x13: {  	s19 =	simm.s32 $0x8880;
	s20 =	simm.s32 $0x9080;
	[dreg:$0x12] =	wrdreg s17  }
0x14: {  	s21 =	simm.s32 $0x9880;
	s22 =	simm.s32 $0xA080;
	[dreg:$0x13] =	wrdreg s18  }
0x15: {  	s23 =	simm.s32 $0xA880;
	s24 =	simm.s32 $0xB880;
	[dreg:$0x14] =	wrdreg s19  }
0x16: {  	s28 =	simm.s32 $0x16080;
	s29 =	simm.s32 $0x16880;
	[dreg:$0x15] =	wrdreg s20  }
0x17: {  	s30 =	simm.s32 $0x17080;
	s31 =	simm.s32 $0x17880;
	[dreg:$0x16] =	wrdreg s21  }
0x18: {  	s4 =	smul.u32 $0x300, s3;
	s3 =	sadd.s32 s3, s5;
	[dreg:$0x17] =	wrdreg s22  }
0x19: {  	s1 =	ssub.s32 $0x2, s1;
	s3 =	sadd.s32 $0x40600, s3;
	[dreg:$0x18] =	wrdreg s23  }
0x1a: {  	s6 =	sshrl.u32 s1, $0x1;
	s7 =	simm.s32 $0xB080;
	[dreg:$0x1a] =	wrdreg s24  }
0x1b: {  	s8 =	simm.s32 $0x80;
	s26 =	simm.s32 $0xC880;
	s10 =	simm.s32 $0xD880  }
0x1c: {  	s11 =	simm.s32 $0xE080;
	s12 =	simm.s32 $0xE880;
	s13 =	simm.s32 $0xF080  }
0x1d: {  	s14 =	simm.s32 $0xF880;
	s15 =	simm.s32 $0x10080;
	s16 =	simm.s32 $0x10880  }
0x1e: {  	s17 =	simm.s32 $0x11080;
	s18 =	simm.s32 $0x11880;
	s19 =	simm.s32 $0x12080  }
0x1f: {  	s20 =	simm.s32 $0x12880;
	s21 =	simm.s32 $0x13080;
	s22 =	simm.s32 $0x13880  }
0x20: {  	s23 =	simm.s32 $0x14080;
	s24 =	simm.s32 $0x14880;
	[dreg:$0x2] =	wrdreg s3  }
0x21: {  	s4 =	sadd.s32 s4, s5;
	s3 =	sadd.s32 $0xF4800, s5;
	[dreg:$0x19] =	wrdreg s7  }
0x22: {  	s1 =	ssub.s32 s1, s6;
	s7 =	simm.s32 $0x2;
	[dreg:$0x1c] =	wrdreg s26  }
0x23: {  	s26 =	simm.s32 $0x15880;
	s25 =	sadd.s32 $0x40800, s4;
	s4 =	simm.s32 $0x1880  }
0x24: {  	v2 =	vlaneseq.u32;
	s6 =	smax.u32 s1, $0x1;
	s1 =	simm.s32 $0x1;
	[dreg:$0x3] =	wrdreg s25  }
0x25: {  	vm0 =	vmmov $0xffff;
	v1 =	vshrl.u32 v2, $0x3;
	[dreg:$0x6] =	wrdreg s4;
	s4 =	sadd.s32 $0xF4900, s5;
	s25 =	simm.s32 $0xC080  }
0x26: {  	v0 =	vand.u32 $0x7, v2;
	v2 =	vor.u32 $0x8, v2;
	v1 =	vmul.u32 $0x8, v1;
	s5 =	sadd.s32 $0xF4A00, s5;
	[dreg:$0x1b] =	wrdreg s25;
	s25 =	simm.s32 $0x15080  }
.LBB2_1:
0x27: {  	s0 =	rddreg [dreg:$0x2]  }
0x28: {  	[tilespmem:s2], [sflag:$0x2] =	stream.linear.gather [hbm4b:s0+s2], $0x80, $0x38;
	[tilespmem:$0x18080] =	vst v63  }
0x29: {  	_ =	swait.ge [sflag:s7], $0x80  }
0x2a: {  	[sflag:s7] =	ssyncset.done $0x0  }
0x2b: {  	[sflag:s7] =	ssyncadd.s32 $0xFFFFFF80  }
0x2c: {  	v3 =	vld [tilespmem:$0x0];
	_ =	sdelay $0x4  }
0x2d: {  	v4 =	vshrl.u32 v3, $0x3  }
0x2e: {  	v4 =	vmul.u32 $0x30, v4  }
0x2f: {  	v3 =	vand.u32 $0x7, v3  }
0x30: {  	v3 =	vor.u32 v3, v4  }
0x31: {  	v4 =	vperm.xlane v3, v0;
	_ =	sdelay $0x1  }
0x32: {  	v4 =	vadd.s32 v1, v4;
	_ =	sdelay $0x3  }
0x33: {  	v3 =	vperm.xlane v3, v2  }
0x34: {  	[tilespmem:s8], [sflag:$0x1] =	stream.indirect_vreg.gather [hbm4b:s3+s2], $0x80, v4, vm0, $0xb8;
	[tilespmem:$0x18080] =	vst v63  }
0x35: {  	s0 =	rddreg [dreg:$0x4];
	v3 =	vadd.s32 v1, v3  }
0x36: {  	[tilespmem:s0], [sflag:$0x1] =	stream.indirect_vreg.gather [hbm4b:s4+s2], $0x80, v4, vm0, $0xb8;
	[tilespmem:$0x18080] =	vst v63  }
0x37: {  	s9 =	rddreg [dreg:$0x5]  }
0x38: {  	[tilespmem:s9], [sflag:$0x1] =	stream.indirect_vreg.gather [hbm4b:s5+s2], $0x80, v4, vm0, $0xb8;
	[tilespmem:$0x18080] =	vst v63  }
0x39: {  	s0 =	rddreg [dreg:$0x6]  }
0x3a: {  	[tilespmem:s0], [sflag:$0x1] =	stream.indirect_vreg.gather [hbm4b:s3+s2], $0x80, v3, vm0, $0xb8;
	[tilespmem:$0x18080] =	vst v63  }
0x3b: {  	s9 =	rddreg [dreg:$0x7]  }
0x3c: {  	[tilespmem:s9], [sflag:$0x1] =	stream.indirect_vreg.gather [hbm4b:s4+s2], $0x80, v3, vm0, $0xb8;
	[tilespmem:$0x18080] =	vst v63  }
0x3d: {  	s0 =	rddreg [dreg:$0x8]  }
0x3e: {  	[tilespmem:s0], [sflag:$0x1] =	stream.indirect_vreg.gather [hbm4b:s5+s2], $0x80, v3, vm0, $0xb8;
	[tilespmem:$0x18080] =	vst v63  }
0x3f: {  	v3 =	vld [tilespmem:$0x10];
	_ =	sdelay $0x4  }
0x40: {  	v57 =	vshrl.u32 v3, $0x3  }
0x41: {  	v4 =	vmul.u32 $0x30, v57  }
0x42: {  	v3 =	vand.u32 $0x7, v3  }
0x43: {  	v3 =	vor.u32 v3, v4  }
0x44: {  	v4 =	vperm.xlane v3, v0;
	_ =	sdelay $0x1  }
0x45: {  	v4 =	vadd.s32 v1, v4;
	_ =	sdelay $0x3  }
0x46: {  	s0 =	rddreg [dreg:$0x9];
	v3 =	vperm.xlane v3, v2  }
0x47: {  	[tilespmem:s0], [sflag:$0x1] =	stream.indirect_vreg.gather [hbm4b:s3+s2], $0x80, v4, vm0, $0xb8;
	[tilespmem:$0x18080] =	vst v63  }
0x48: {  	s9 =	rddreg [dreg:$0xa];
	v3 =	vadd.s32 v1, v3  }
0x49: {  	[tilespmem:s9], [sflag:$0x1] =	stream.indirect_vreg.gather [hbm4b:s4+s2], $0x80, v4, vm0, $0xb8;
	[tilespmem:$0x18080] =	vst v63  }
0x4a: {  	s0 =	rddreg [dreg:$0xb]  }
0x4b: {  	[tilespmem:s0], [sflag:$0x1] =	stream.indirect_vreg.gather [hbm4b:s5+s2], $0x80, v4, vm0, $0xb8;
	[tilespmem:$0x18080] =	vst v63  }
0x4c: {  	s9 =	rddreg [dreg:$0xc]  }
0x4d: {  	[tilespmem:s9], [sflag:$0x1] =	stream.indirect_vreg.gather [hbm4b:s3+s2], $0x80, v3, vm0, $0xb8;
	[tilespmem:$0x18080] =	vst v63  }
0x4e: {  	s0 =	rddreg [dreg:$0xd]  }
0x4f: {  	[tilespmem:s0], [sflag:$0x1] =	stream.indirect_vreg.gather [hbm4b:s4+s2], $0x80, v3, vm0, $0xb8;
	[tilespmem:$0x18080] =	vst v63  }
0x50: {  	s9 =	rddreg [dreg:$0xe]  }
0x51: {  	[tilespmem:s9], [sflag:$0x1] =	stream.indirect_vreg.gather [hbm4b:s5+s2], $0x80, v3, vm0, $0xb8;
	[tilespmem:$0x18080] =	vst v63  }
0x52: {  	v3 =	vld [tilespmem:$0x20];
	_ =	sdelay $0x4  }
0x53: {  	v58 =	vshrl.u32 v3, $0x3  }
0x54: {  	v4 =	vmul.u32 $0x30, v58  }
0x55: {  	v3 =	vand.u32 $0x7, v3  }
0x56: {  	v3 =	vor.u32 v3, v4  }
0x57: {  	v4 =	vperm.xlane v3, v0;
	_ =	sdelay $0x1  }
0x58: {  	v4 =	vadd.s32 v1, v4;
	_ =	sdelay $0x3  }
0x59: {  	s0 =	rddreg [dreg:$0xf];
	v3 =	vperm.xlane v3, v2  }
0x5a: {  	[tilespmem:s0], [sflag:$0x1] =	stream.indirect_vreg.gather [hbm4b:s3+s2], $0x80, v4, vm0, $0xb8;
	[tilespmem:$0x18080] =	vst v63  }
0x5b: {  	s9 =	rddreg [dreg:$0x10];
	v3 =	vadd.s32 v1, v3  }
0x5c: {  	[tilespmem:s9], [sflag:$0x1] =	stream.indirect_vreg.gather [hbm4b:s4+s2], $0x80, v4, vm0, $0xb8;
	[tilespmem:$0x18080] =	vst v63  }
0x5d: {  	s0 =	rddreg [dreg:$0x11]  }
0x5e: {  	[tilespmem:s0], [sflag:$0x1] =	stream.indirect_vreg.gather [hbm4b:s5+s2], $0x80, v4, vm0, $0xb8;
	[tilespmem:$0x18080] =	vst v63  }
0x5f: {  	s9 =	rddreg [dreg:$0x12]  }
0x60: {  	[tilespmem:s9], [sflag:$0x1] =	stream.indirect_vreg.gather [hbm4b:s3+s2], $0x80, v3, vm0, $0xb8;
	[tilespmem:$0x18080] =	vst v63  }
0x61: {  	s0 =	rddreg [dreg:$0x13]  }
0x62: {  	[tilespmem:s0], [sflag:$0x1] =	stream.indirect_vreg.gather [hbm4b:s4+s2], $0x80, v3, vm0, $0xb8;
	[tilespmem:$0x18080] =	vst v63  }
0x63: {  	s9 =	rddreg [dreg:$0x14]  }
0x64: {  	[tilespmem:s9], [sflag:$0x1] =	stream.indirect_vreg.gather [hbm4b:s5+s2], $0x80, v3, vm0, $0xb8;
	[tilespmem:$0x18080] =	vst v63  }
0x65: {  	v3 =	vld [tilespmem:$0x30];
	_ =	sdelay $0x4  }
0x66: {  	v59 =	vshrl.u32 v3, $0x3  }
0x67: {  	v4 =	vmul.u32 $0x30, v59  }
0x68: {  	v3 =	vand.u32 $0x7, v3  }
0x69: {  	v3 =	vor.u32 v3, v4  }
0x6a: {  	v4 =	vperm.xlane v3, v0;
	_ =	sdelay $0x1  }
0x6b: {  	v4 =	vadd.s32 v1, v4;
	_ =	sdelay $0x3  }
0x6c: {  	s0 =	rddreg [dreg:$0x15];
	v3 =	vperm.xlane v3, v2  }
0x6d: {  	[tilespmem:s0], [sflag:$0x1] =	stream.indirect_vreg.gather [hbm4b:s3+s2], $0x80, v4, vm0, $0xb8;
	[tilespmem:$0x18080] =	vst v63  }
0x6e: {  	s9 =	rddreg [dreg:$0x16];
	v3 =	vadd.s32 v1, v3  }
0x6f: {  	[tilespmem:s9], [sflag:$0x1] =	stream.indirect_vreg.gather [hbm4b:s4+s2], $0x80, v4, vm0, $0xb8;
	[tilespmem:$0x18080] =	vst v63  }
0x70: {  	s0 =	rddreg [dreg:$0x17]  }
0x71: {  	[tilespmem:s0], [sflag:$0x1] =	stream.indirect_vreg.gather [hbm4b:s5+s2], $0x80, v4, vm0, $0xb8;
	[tilespmem:$0x18080] =	vst v63  }
0x72: {  	s9 =	rddreg [dreg:$0x18]  }
0x73: {  	[tilespmem:s9], [sflag:$0x1] =	stream.indirect_vreg.gather [hbm4b:s3+s2], $0x80, v3, vm0, $0xb8;
	[tilespmem:$0x18080] =	vst v63  }
0x74: {  	s0 =	rddreg [dreg:$0x19]  }
0x75: {  	[tilespmem:s0], [sflag:$0x1] =	stream.indirect_vreg.gather [hbm4b:s4+s2], $0x80, v3, vm0, $0xb8;
	[tilespmem:$0x18080] =	vst v63  }
0x76: {  	s9 =	rddreg [dreg:$0x1a]  }
0x77: {  	[tilespmem:s9], [sflag:$0x1] =	stream.indirect_vreg.gather [hbm4b:s5+s2], $0x80, v3, vm0, $0xb8;
	[tilespmem:$0x18080] =	vst v63  }
0x78: {  	v3 =	vld [tilespmem:$0x40];
	_ =	sdelay $0x4  }
0x79: {  	v60 =	vshrl.u32 v3, $0x3  }
0x7a: {  	v4 =	vmul.u32 $0x30, v60  }
0x7b: {  	v3 =	vand.u32 $0x7, v3  }
0x7c: {  	v3 =	vor.u32 v3, v4  }
0x7d: {  	v4 =	vperm.xlane v3, v0;
	_ =	sdelay $0x1  }
0x7e: {  	v4 =	vadd.s32 v1, v4;
	_ =	sdelay $0x3  }
0x7f: {  	s0 =	rddreg [dreg:$0x1b];
	v3 =	vperm.xlane v3, v2  }
0x80: {  	[tilespmem:s0], [sflag:$0x1] =	stream.indirect_vreg.gather [hbm4b:s3+s2], $0x80, v4, vm0, $0xb8;
	[tilespmem:$0x18080] =	vst v63  }
0x81: {  	s9 =	rddreg [dreg:$0x1c];
	v3 =	vadd.s32 v1, v3  }
0x82: {  	[tilespmem:s9], [sflag:$0x1] =	stream.indirect_vreg.gather [hbm4b:s4+s2], $0x80, v4, vm0, $0xb8;
	[tilespmem:$0x18080] =	vst v63  }
0x83: {  	s9 =	simm.s32 $0xD080  }
0x84: {  	[tilespmem:s9], [sflag:$0x1] =	stream.indirect_vreg.gather [hbm4b:s5+s2], $0x80, v4, vm0, $0xb8;
	[tilespmem:$0x18080] =	vst v63  }
0x85: {  	_ = 	snop  }
0x86: {  	[tilespmem:s10], [sflag:$0x1] =	stream.indirect_vreg.gather [hbm4b:s3+s2], $0x80, v3, vm0, $0xb8;
	[tilespmem:$0x18080] =	vst v63  }
0x87: {  	_ = 	snop  }
0x88: {  	[tilespmem:s11], [sflag:$0x1] =	stream.indirect_vreg.gather [hbm4b:s4+s2], $0x80, v3, vm0, $0xb8;
	[tilespmem:$0x18080] =	vst v63  }
0x89: {  	_ = 	snop  }
0x8a: {  	[tilespmem:s12], [sflag:$0x1] =	stream.indirect_vreg.gather [hbm4b:s5+s2], $0x80, v3, vm0, $0xb8;
	[tilespmem:$0x18080] =	vst v63  }
0x8b: {  	v3 =	vld [tilespmem:$0x50];
	_ =	sdelay $0x4  }
0x8c: {  	v61 =	vshrl.u32 v3, $0x3  }
0x8d: {  	v4 =	vmul.u32 $0x30, v61  }
0x8e: {  	v3 =	vand.u32 $0x7, v3  }
0x8f: {  	v3 =	vor.u32 v3, v4  }
0x90: {  	v4 =	vperm.xlane v3, v0;
	_ =	sdelay $0x1  }
0x91: {  	v4 =	vadd.s32 v1, v4;
	_ =	sdelay $0x3  }
0x92: {  	v3 =	vperm.xlane v3, v2  }
0x93: {  	[tilespmem:s13], [sflag:$0x1] =	stream.indirect_vreg.gather [hbm4b:s3+s2], $0x80, v4, vm0, $0xb8;
	[tilespmem:$0x18080] =	vst v63  }
0x94: {  	v3 =	vadd.s32 v1, v3  }
0x95: {  	[tilespmem:s14], [sflag:$0x1] =	stream.indirect_vreg.gather [hbm4b:s4+s2], $0x80, v4, vm0, $0xb8;
	[tilespmem:$0x18080] =	vst v63  }
0x96: {  	_ = 	snop  }
0x97: {  	[tilespmem:s15], [sflag:$0x1] =	stream.indirect_vreg.gather [hbm4b:s5+s2], $0x80, v4, vm0, $0xb8;
	[tilespmem:$0x18080] =	vst v63  }
0x98: {  	_ = 	snop  }
0x99: {  	[tilespmem:s16], [sflag:$0x1] =	stream.indirect_vreg.gather [hbm4b:s3+s2], $0x80, v3, vm0, $0xb8;
	[tilespmem:$0x18080] =	vst v63  }
0x9a: {  	_ = 	snop  }
0x9b: {  	[tilespmem:s17], [sflag:$0x1] =	stream.indirect_vreg.gather [hbm4b:s4+s2], $0x80, v3, vm0, $0xb8;
	[tilespmem:$0x18080] =	vst v63  }
0x9c: {  	_ = 	snop  }
0x9d: {  	[tilespmem:s18], [sflag:$0x1] =	stream.indirect_vreg.gather [hbm4b:s5+s2], $0x80, v3, vm0, $0xb8;
	[tilespmem:$0x18080] =	vst v63  }
0x9e: {  	v3 =	vld [tilespmem:$0x60];
	_ =	sdelay $0x4  }
0x9f: {  	v62 =	vshrl.u32 v3, $0x3  }
0xa0: {  	v4 =	vmul.u32 $0x30, v62  }
0xa1: {  	v3 =	vand.u32 $0x7, v3  }
0xa2: {  	v3 =	vor.u32 v3, v4  }
0xa3: {  	v4 =	vperm.xlane v3, v0;
	_ =	sdelay $0x1  }
0xa4: {  	v4 =	vadd.s32 v1, v4;
	_ =	sdelay $0x3  }
0xa5: {  	v3 =	vperm.xlane v3, v2  }
0xa6: {  	[tilespmem:s19], [sflag:$0x1] =	stream.indirect_vreg.gather [hbm4b:s3+s2], $0x80, v4, vm0, $0xb8;
	[tilespmem:$0x18080] =	vst v63  }
0xa7: {  	v3 =	vadd.s32 v1, v3  }
0xa8: {  	[tilespmem:s20], [sflag:$0x1] =	stream.indirect_vreg.gather [hbm4b:s4+s2], $0x80, v4, vm0, $0xb8;
	[tilespmem:$0x18080] =	vst v63  }
0xa9: {  	_ = 	snop  }
0xaa: {  	[tilespmem:s21], [sflag:$0x1] =	stream.indirect_vreg.gather [hbm4b:s5+s2], $0x80, v4, vm0, $0xb8;
	[tilespmem:$0x18080] =	vst v63  }
0xab: {  	_ = 	snop  }
0xac: {  	[tilespmem:s22], [sflag:$0x1] =	stream.indirect_vreg.gather [hbm4b:s3+s2], $0x80, v3, vm0, $0xb8;
	[tilespmem:$0x18080] =	vst v63  }
0xad: {  	_ = 	snop  }
0xae: {  	[tilespmem:s23], [sflag:$0x1] =	stream.indirect_vreg.gather [hbm4b:s4+s2], $0x80, v3, vm0, $0xb8;
	[tilespmem:$0x18080] =	vst v63  }
0xaf: {  	_ = 	snop  }
0xb0: {  	[tilespmem:s24], [sflag:$0x1] =	stream.indirect_vreg.gather [hbm4b:s5+s2], $0x80, v3, vm0, $0xb8;
	[tilespmem:$0x18080] =	vst v63  }
0xb1: {  	v3 =	vld [tilespmem:$0x70];
	_ =	sdelay $0x4  }
0xb2: {  	v63 =	vshrl.u32 v3, $0x3  }
0xb3: {  	v4 =	vmul.u32 $0x30, v63  }
0xb4: {  	v3 =	vand.u32 $0x7, v3  }
0xb5: {  	v3 =	vor.u32 v3, v4  }
0xb6: {  	v4 =	vperm.xlane v3, v0;
	_ =	sdelay $0x1  }
0xb7: {  	v4 =	vadd.s32 v1, v4;
	_ =	sdelay $0x3  }
0xb8: {  	v3 =	vperm.xlane v3, v2  }
0xb9: {  	[tilespmem:s25], [sflag:$0x1] =	stream.indirect_vreg.gather [hbm4b:s3+s2], $0x80, v4, vm0, $0xb8;
	[tilespmem:$0x18080] =	vst v63  }
0xba: {  	v3 =	vadd.s32 v1, v3  }
0xbb: {  	[tilespmem:s26], [sflag:$0x1] =	stream.indirect_vreg.gather [hbm4b:s4+s2], $0x80, v4, vm0, $0xb8;
	[tilespmem:$0x18080] =	vst v63  }
0xbc: {  	_ = 	snop  }
0xbd: {  	[tilespmem:s28], [sflag:$0x1] =	stream.indirect_vreg.gather [hbm4b:s5+s2], $0x80, v4, vm0, $0xb8;
	[tilespmem:$0x18080] =	vst v63  }
0xbe: {  	_ = 	snop  }
0xbf: {  	[tilespmem:s29], [sflag:$0x1] =	stream.indirect_vreg.gather [hbm4b:s3+s2], $0x80, v3, vm0, $0xb8;
	[tilespmem:$0x18080] =	vst v63  }
0xc0: {  	_ = 	snop  }
0xc1: {  	[tilespmem:s30], [sflag:$0x1] =	stream.indirect_vreg.gather [hbm4b:s4+s2], $0x80, v3, vm0, $0xb8;
	[tilespmem:$0x18080] =	vst v63  }
0xc2: {  	_ = 	snop  }
0xc3: {  	[tilespmem:s31], [sflag:$0x1] =	stream.indirect_vreg.gather [hbm4b:s5+s2], $0x80, v3, vm0, $0xb8;
	[tilespmem:$0x18080] =	vst v63  }
0xc4: {  	_ =	swait.ge [sflag:s1], $0x18000  }
0xc5: {  	p0 =	sne.s32 s6, $0x1;
	[sflag:s1] =	ssyncset.done $0x0  }
.Ltmp0:
0xc6: {  	s9 =	rddreg [dreg:$0x3];
	[sflag:s1] =	ssyncadd.s32 $0xFFFE8000;
	(pc) =	sbr.rel @p0 .LBB2_1-.Ltmp0, $4  }
0xc7: {  	[hbm4b:s9+s2] =	stream.linear.scatter [tilespmem:s8], [sflag:$0x2], $0x18000, $0x38;
	[tilespmem:$0x18080] =	vst v63  }
0xc8: {  	_ =	swait.ge [sflag:s7], $0x18000  }
0xc9: {  	[sflag:s7] =	ssyncset.done $0x0  }
0xca: {  	s6 =	sadd.s32 $0xFFFFFFFF, s6;
	[sflag:s7] =	ssyncadd.s32 $0xFFFE8000  }
0xcb: {  	_ =	sfence.sel $0x180000  }
0xcc: {  	[bflag:$0x0] =	sbarrier.arrive $0xFFFF  }
0xcd: {  	_ =	strace $0x9000004D  }
0xce: {  	s0 =	stileid.u32;
	[bflag:$0x2] =	sbarrier.arrive $0xFFFF  }
0xcf: {  	p0 =	sne.s32 s0, $0x0;
	s0 =	rddreg [dreg:$0x1]  }
0xd0: {  	s0 =	sadd.s32 @!p0 $0x100000, s0  }
0xd1: {  	[sflag:s0] =	ssyncadd.tile.s32 @!p0 $0x1;
	_ =	shalt  }
.Lfunc_end2:
_tile_overlayer_lowered:
.L_overlay_start_2:
0xd2: {  	(tag) =	ssettag $0x2  }
0xd3: {  	s0 =	rddreg [dreg:$0x0];
	s2 =	stileid.u32  }
0xd4: {  	s1 =	rddreg [dreg:$0x1];
	p0 =	sne.s32 s2, $0x0  }
0xd5: {  	s3 =	rddreg [dreg:$0x2];
	[bflag:$0x3] =	sbarrier.arrive $0xFFFF;
	s2 =	simm.s32 @!p0 $0x1C02  }
0xd6: {  	[timem:s3], [sflag:s2] =	dma.local @!p0 [hbm:s0], s1  }
0xd7: {  	s0 =	simm.s32 @!p0 $0x2  }
0xd8: {  	_ =	swait.ge @!p0 [sflag:s0], s1  }
0xd9: {  	s1 =	ssub.s32 @!p0 $0x0, s1;
	[sflag:s0] =	ssyncset.done @!p0 $0x0  }
0xda: {  	[sflag:s0] =	ssyncadd.s32 @!p0 s1  }
0xdb: {  	[bflag:$0x3] =	sbarrier.arrive $0xFFFF  }
0xdc: {  	_ =	shalt  }

// kernel: kernel.9.cloned.1.call-start
scs
__scs_entry_jumppad:
0x0: {  	(pc) =	sbr.rel $0x88, $3  }
0x1: {  	(tag) =	ssettag $0x0;
	lr =	simm.s32 $0x1  }
0x2: {  	[smem:$0x3F8A] =	sst lr;
	_ =	strace $0xD0000000  }
0x3: {  	_ = 	snop  }
0x4: {  	_ = 	snop  }
0x5: {  	_ = 	snop  }
0x6: {  	_ = 	snop  }
0x7: {  	_ = 	snop  }
__scs_overlays_trampoline_lowered:
0x8: {  	[smem:$0x3F99] =	sst s0  }
0x9: {  	[smem:$0x3F9A] =	sst s1  }
0xa: {  	[smem:$0x3F9B] =	sst s2  }
0xb: {  	[smem:$0x3F9C] =	sst s3  }
0xc: {  	[smem:$0x3F9D] =	sst s4  }
0xd: {  	[smem:$0x3F9E] =	sst s5  }
0xe: {  	[smem:$0x3F9F] =	sst s6  }
0xf: {  	[smem:$0x3FA0] =	sst s7  }
0x10: {  	[smem:$0x3FA1] =	sst s8  }
0x11: {  	[smem:$0x3FA2] =	sst s9;
	s0 =	simm.s32 @!p0 $0x0  }
0x12: {  	s1 =	sld [smem:$0x3F88];
	s0 =	simm.s32 @p0 $0x1  }
0x13: {  	[smem:$0x3FA3] =	sst s0;
	s0 =	simm.s32 @!p1 $0x0  }
0x14: {  	s2 =	sld [smem:$0x3F87];
	s0 =	simm.s32 @p1 $0x1  }
0x15: {  	[smem:$0x3FA4] =	sst s0;
	s0 =	simm.s32 @!p2 $0x0  }
0x16: {  	s3 =	sld [smem:$0x3FDB];
	s0 =	simm.s32 @p2 $0x1  }
0x17: {  	s4 =	simm.s32 $0x1BF5;
	[smem:$0x3FA6] =	sst s0  }
0x18: {  	s0 =	sld [smem:$0x3F89];
	_ =	swait.ge [sflag:s4], $0x0  }
0x19: {  	s7 =	sld [smem:$0x3F8A]  }
0x1a: {  	s8 =	sadd.s32 $0xFFFFE003, lr  }
0x1b: {  	s9 =	sadd.s32 $0xFFFFFEF7, lr;
	s5 =	simm.s32 $0xFFFFFFFF;
	p2 =	slt.u32 s8, $0xFFFFF086  }
0x1c: {  	p1 =	slt.u32 s9, $0xF7A;
	s5 =	simm.s32 @!p2 $0x0  }
0x1d: {  	s5 =	simm.s32 @p1 $0x1;
	p0 =	seq.s32 s7, s2  }
0x1e: {  	s7 =	smul.u32 @!p0 $0xF7A, s2;
	p2 =	seq.s32 @!p0 s5, $0x0  }
0x1f: {  	s9 =	smul.u32 $0xF7A, s1;
	s8 =	simm.s32 @!p0 $0x1BF5;
	p2 =	por !p2, p0  }
0x20: {  	[sflag:s8] =	ssyncset.s32 @!p0 $0xFFFFF086;
	s6 =	sadd.s32 @!p0 s3, s7;
	s7 =	simm.s32 @!p0 $0x108  }
0x21: {  	s3 =	sadd.s32 s3, s9;
	s6 =	sadd.s32 @!p0 $0x88, s6;
	s7 =	simm.s32 @p2 $0x1082  }
0x22: {  	[simem:s7], [sflag:s8] =	dma.local @!p0 [hbm:s6], $0xF7A  }
0x23: {  	s9 =	sor.u32 $0xD0000000, s2;
	s6 =	simm.s32 $0x108;
	_ =	swait.ge @!p0 [sflag:s8], $0x0  }
0x24: {  	s3 =	sadd.s32 $0x88, s3;
	s6 =	simm.s32 @!p1 $0x1082;
	[sflag:s4] =	ssyncset.s32 $0xFFFFF086  }
0x25: {  	[simem:s6], [sflag:s4] =	dma.local [hbm:s3], $0xF7A  }
0x26: {  	[smem:$0x3F8A] =	sst s1;
	(tag) =	ssettag s2;
	_ =	strace s9  }
0x27: {  	s1 =	sld [smem:$0x3F9A]  }
0x28: {  	s2 =	sld [smem:$0x3F9B]  }
0x29: {  	s4 =	sld [smem:$0x3F9D]  }
0x2a: {  	p0 =	seq.s32 s5, $0x0;
	s5 =	sld [smem:$0x3F9E]  }
0x2b: {  	s6 =	sld [smem:$0x3F9F]  }
0x2c: {  	s7 =	sld [smem:$0x3FA0]  }
0x2d: {  	s3 =	simm.s32 $0x108;
	s8 =	sld [smem:$0x3FA1]  }
0x2e: {  	s3 =	simm.s32 @!p0 $0x1082;
	s9 =	sld [smem:$0x3FA2]  }
0x2f: {  	lr =	sadd.s32 s0, s3;
	s0 =	sld [smem:$0x3F99]  }
0x30: {  	s3 =	sld [smem:$0x3F9C]  }
0x31: {  	[smem:$0x3FA5] =	sst s10  }
0x32: {  	s10 =	sld [smem:$0x3FA3];
	_ =	sdelay $0x3  }
0x33: {  	p0 =	seq.s32 s10, $0x1;
	s10 =	sld [smem:$0x3FA5];
	_ =	sdelay $0x3  }
0x34: {  	[smem:$0x3FA5] =	sst s10  }
0x35: {  	s10 =	sld [smem:$0x3FA4];
	_ =	sdelay $0x3  }
0x36: {  	p1 =	seq.s32 s10, $0x1;
	s10 =	sld [smem:$0x3FA5];
	_ =	sdelay $0x3  }
0x37: {  	[smem:$0x3FA5] =	sst s10  }
0x38: {  	s10 =	sld [smem:$0x3FA6]  }
0x39: {  	_ = 	snop;
	(pc) =	sbr.ind lr, $3  }
0x3a: {  	_ = 	snop  }
0x3b: {  	_ = 	snop  }
0x3c: {  	p2 =	seq.s32 s10, $0x1;
	s10 =	sld [smem:$0x3FA5]  }
0x3d: {  	_ =	shalt  }
0x3e: {  	_ =	shalt  }
0x3f: {  	_ =	shalt  }
0x40: {  	_ =	shalt  }
0x41: {  	_ =	shalt  }
0x42: {  	_ =	shalt  }
0x43: {  	_ =	shalt  }
0x44: {  	_ =	shalt  }
0x45: {  	_ =	shalt  }
0x46: {  	_ =	shalt  }
0x47: {  	_ =	shalt  }
0x48: {  	_ =	shalt  }
0x49: {  	_ =	shalt  }
0x4a: {  	_ =	shalt  }
0x4b: {  	_ =	shalt  }
0x4c: {  	_ =	shalt  }
0x4d: {  	_ =	shalt  }
0x4e: {  	_ =	shalt  }
0x4f: {  	_ =	shalt  }
0x50: {  	_ =	shalt  }
0x51: {  	_ =	shalt  }
0x52: {  	_ =	shalt  }
0x53: {  	_ =	shalt  }
0x54: {  	_ =	shalt  }
0x55: {  	_ =	shalt  }
0x56: {  	_ =	shalt  }
0x57: {  	_ =	shalt  }
0x58: {  	_ =	shalt  }
0x59: {  	_ =	shalt  }
0x5a: {  	_ =	shalt  }
0x5b: {  	_ =	shalt  }
0x5c: {  	_ =	shalt  }
0x5d: {  	_ =	shalt  }
0x5e: {  	_ =	shalt  }
0x5f: {  	_ =	shalt  }
0x60: {  	_ =	shalt  }
0x61: {  	_ =	shalt  }
0x62: {  	_ =	shalt  }
0x63: {  	_ =	shalt  }
0x64: {  	_ =	shalt  }
0x65: {  	_ =	shalt  }
0x66: {  	_ =	shalt  }
0x67: {  	_ =	shalt  }
0x68: {  	_ =	shalt  }
0x69: {  	_ =	shalt  }
0x6a: {  	_ =	shalt  }
0x6b: {  	_ =	shalt  }
0x6c: {  	_ =	shalt  }
0x6d: {  	_ =	shalt  }
0x6e: {  	_ =	shalt  }
0x6f: {  	_ =	shalt  }
0x70: {  	_ =	shalt  }
0x71: {  	_ =	shalt  }
0x72: {  	_ =	shalt  }
0x73: {  	_ =	shalt  }
0x74: {  	_ =	shalt  }
0x75: {  	_ =	shalt  }
0x76: {  	_ =	shalt  }
0x77: {  	_ =	shalt  }
0x78: {  	_ =	shalt  }
0x79: {  	_ =	shalt  }
0x7a: {  	_ =	shalt  }
0x7b: {  	_ =	shalt  }
0x7c: {  	_ =	shalt  }
0x7d: {  	_ =	shalt  }
0x7e: {  	_ =	shalt  }
0x7f: {  	_ =	shalt  }
0x80: {  	_ =	shalt  }
0x81: {  	_ =	shalt  }
0x82: {  	_ =	shalt  }
0x83: {  	_ =	shalt  }
0x84: {  	_ =	shalt  }
0x85: {  	_ =	shalt  }
0x86: {  	_ =	shalt  }
0x87: {  	_ =	shalt  }
.Lfunc_end0:
.L_simem_size_0:
called_computation.1_lowered:
.L_overlay_start_0:
0x88: {  	s2 =	sld [smem:$0x3FD9]  }
0x89: {  	s3 =	sld [smem:$0x3FFE];
	_ =	sdelay $0x1  }
0x8a: {  	s1 =	srdreg.scid  }
0x8b: {  	s0 =	sand.u32 $0x1, s1  }
0x8c: {  	s17 =	sshll.u32 s0, $0xA;
	s2 =	sadd.s32 s3, s2  }
0x8d: {  	s2 =	sadd.s32 s2, s17  }
0x8e: {  	[smem:$0x3FB1] =	sst s2  }
0x8f: {  	_ = 	snop  }
0x90: {  	s2 =	sld [smem:$0x3FD0];
	(tm) =	ssettm $0x1  }
0x91: {  	s18 =	sld [smem:$0x3FFB];
	_ =	sdelay $0x3  }
0x92: {  	_ =	strace s18  }
0x93: {  	s3 =	sld [smem:$0x3FFC];
	_ =	sdelay $0x3  }
0x94: {  	_ =	strace s3  }
0x95: {  	s3 =	sld [smem:$0x3FFD];
	_ =	sdelay $0x3  }
0x96: {  	_ =	strace s3  }
0x97: {  	_ =	strace $0x8FFFFFFF  }
0x98: {  	s19 =	sld [smem:$0x3FDB];
	_ =	sdelay $0x1  }
0x99: {  	s4 =	simm.s32 $_scs_section_size  }
0x9a: {  	s5 =	simm.s32 $_size__tile_overlayer_lowered;
	s6 =	simm.s32 $_tile_overlayer_lowered  }
0x9b: {  	s22 =	simm.s32 $0x1BFF;
	s21 =	sshll.u32 s6, $0x1;
	s3 =	sadd.s32 s4, s19  }
0x9c: {  	s7 =	simm.s32 $0x0;
	s20 =	sshll.u32 s5, $0x1;
	s5 =	sadd.s32 s21, s3  }
0x9d: {  	[timem:s7], [sflag:s22] =	dma.local [hbm:s5], s20  }
0x9e: {  	_ =	swait.ge [sflag:s22], s20  }
0x9f: {  	s4 =	ssub.s32 $0x0, s20;
	[sflag:s22] =	ssyncset.done $0x0  }
0xa0: {  	[sflag:s22] =	ssyncadd.s32 s4;
	_ =	sdelay $0x1  }
0xa1: {  	s23 =	simm.s32 $0x1B8B  }
0xa2: {  	_ =	swait.ge [sflag:s23], $0x1  }
0xa3: {  	[sflag:s23] =	ssyncset.done $0x0  }
0xa4: {  	s25 =	simm.s32 $0x1B8E;
	s24 =	sld [smem:$0x3FFE];
	[sflag:s23] =	ssyncadd.s32 $0xFFFFFFFF  }
0xa5: {  	s26 =	simm.s32 $execute0_lowered;
	[smem:$0x3FD2] =	sst s25  }
0xa6: {  	s5 =	sshll.u32 s26, $0x1;
	_ =	strace $0x80000049;
	[dreg:$0x1] =	wrdreg $0xFFFFFFFF  }
0xa7: {  	s28 =	simm.s32 $_size_execute0_lowered;
	s3 =	sadd.s32 s3, s5;
	[dreg:$0x0] =	wrdreg $0x0  }
0xa8: {  	s5 =	sshll.u32 s28, $0x1;
	[dreg:$0x2] =	wrdreg s3  }
0xa9: {  	[dreg:$0x3] =	wrdreg s5  }
0xaa: {  	[dreg:$0x4] =	wrdreg $0xC0  }
0xab: {  	_ =	task [dreg:s7], $0x5FFFF  }
0xac: {  	[dreg:$0x1] =	wrdreg $0xFFFFFFFF  }
0xad: {  	[dreg:$0x0] =	wrdreg $0x60  }
0xae: {  	[dreg:$0x2] =	wrdreg s2  }
0xaf: {  	[dreg:$0x3] =	wrdreg s24  }
0xb0: {  	[dreg:$0x4] =	wrdreg $0x9  }
0xb1: {  	_ =	task.clear_ibuf [dreg:s7], $0x5FFFF;
	_ =	strace $0x90000049  }
0xb2: {  	s29 =	simm.s32 $0x9;
	_ =	strace $0x8000004B  }
0xb3: {  	_ =	swait.ge [sflag:s29], $0x1  }
0xb4: {  	[sflag:s29] =	ssyncadd.s32 $0xFFFFFFFF  }
0xb5: {  	_ =	strace $0x9000004B  }
0xb6: {  	_ =	sfence  }
0xb7: {  	s30 =	sld [smem:$0x0];
	_ =	sdelay $0x2  }
0xb8: {  	s31 =	sshll.u32 s1, $0xD;
	s1 =	sshrl.u32 s1, $0x2  }
0xb9: {  	s3 =	sand.u32 $0x4000, s31;
	s1 =	sadd.s32 s1, s30  }
0xba: {  	s0 =	sor.u32 s3, s0;
	s1 =	sshll.u32 s1, $0x11  }
0xbb: {  	s0 =	sor.u32 s1, s0  }
0xbc: {  	s0 =	sadd.s32 $0x8F2B, s0  }
0xbd: {  	[sflag:s0] =	ssyncadd.remote.s32 $0x1  }
0xbe: {  	_ =	sfence.sel $0xFFFF  }
0xbf: {  	[dreg:$0x0] =	wrdreg $0xFFFFFFFF;
	(pc) =	sbr.abs _section_cstart, $3  }
0xc0: {  	[dreg:$0x1] =	wrdreg $0xFFFFFFFF  }
0xc1: {  	_ =	task.clear_ibuf [dreg:s7], $0x2FFFF;
	_ =	strace $0x9FFFFFFF  }
0xc2: {  	(tm) =	ssettm $0x7FFFFFFF  }
0xc3: {  	_ =	shalt  }
tec
execute0_lowered:
.L_overlay_start_1:
0x0: {  	(tag) =	ssettag $0x1  }
0x1: {  	s0 =	rddreg [dreg:$0x0]  }
0x2: {  	s1 =	rddreg [dreg:$0x1];
	s2 =	srdreg.scid  }
0x3: {  	s3 =	stileid.u32;
	s26 =	simm.s32 $0x80;
	s8 =	simm.s32 $0x1  }
0x4: {  	s12 =	simm.s32 $0x2100;
	s13 =	simm.s32 $0x2900;
	s14 =	simm.s32 $0x3100  }
0x5: {  	s15 =	simm.s32 $0x3900;
	s16 =	simm.s32 $0x4100;
	s17 =	simm.s32 $0x4900  }
0x6: {  	s18 =	simm.s32 $0x5100;
	s19 =	simm.s32 $0x5900;
	s20 =	simm.s32 $0x6100  }
0x7: {  	s21 =	simm.s32 $0x6900;
	s22 =	simm.s32 $0x7100;
	s23 =	simm.s32 $0x7900  }
0x8: {  	s28 =	simm.s32 $0x9900;
	s29 =	simm.s32 $0xA100;
	s30 =	simm.s32 $0xA900  }
0x9: {  	s31 =	simm.s32 $0xB100;
	s4 =	sand.u32 $0x1, s2;
	s2 =	simm.s32 $0x0  }
0xa: {  	s3 =	sshll.u32 s3, $0x4;
	s5 =	sshll.u32 s4, $0x3;
	[smem:$0x7FF] =	sst s2  }
0xb: {  	s4 =	ssub.s32 $0x2, s4;
	s5 =	sor.u32 s5, s3;
	_ =	strace $0x8000004A  }
0xc: {  	s3 =	sadd.s32 $0x40800, s1;
	s24 =	sshrl.u32 s4, $0x1;
	[dreg:$0x6] =	wrdreg s26  }
0xd: {  	s26 =	simm.s32 $0x9100;
	s6 =	sadd.s32 s5, s1;
	s5 =	smul.u32 $0x300, s5  }
0xe: {  	s25 =	ssub.s32 s4, s24;
	s4 =	sadd.s32 $0x40900, s1;
	s7 =	sadd.s32 $0x40600, s6  }
0xf: {  	s24 =	simm.s32 $0x8100;
	s6 =	sadd.s32 $0x40700, s6;
	[dreg:$0x3] =	wrdreg s7  }
0x10: {  	v2 =	vlaneseq.u32;
	[dreg:$0x4] =	wrdreg s6;
	s0 =	sadd.s32 s0, s5;
	s5 =	sadd.s32 $0x40A00, s1  }
0x11: {  	vm0 =	vmmov $0xffff;
	v1 =	vshrl.u32 v2, $0x3;
	s6 =	smax.u32 s25, $0x1;
	s7 =	simm.s32 $0x100;
	s25 =	simm.s32 $0x8900  }
0x12: {  	v0 =	vand.u32 $0x7, v2;
	v2 =	vor.u32 $0x8, v2;
	v1 =	vmul.u32 $0x8, v1;
	s1 =	simm.s32 $0x2;
	[dreg:$0x5] =	wrdreg s0;
	s0 =	simm.s32 $0xB900  }
.LBB2_1:
0x13: {  	s9 =	rddreg [dreg:$0x3]  }
0x14: {  	s10 =	rddreg [dreg:$0x4]  }
0x15: {  	[tilespmem:s2], [sflag:$0x1] =	stream.linear.gather [hbm4b:s9+s2], $0x40, $0x38;
	[tilespmem:$0xC100] =	vst v63  }
0x16: {  	s11 =	rddreg [dreg:$0x6]  }
0x17: {  	[tilespmem:s11], [sflag:$0x1] =	stream.linear.gather [hbm4b:s10+s2], $0x40, $0x38;
	[tilespmem:$0xC100] =	vst v63  }
0x18: {  	s9 =	rddreg [dreg:$0x5]  }
0x19: {  	[tilespmem:s7], [sflag:$0x1] =	stream.linear.gather [hbm4b:s9+s2], $0xC000, $0x38;
	[tilespmem:$0xC100] =	vst v63  }
0x1a: {  	_ =	swait.ge [sflag:s8], $0x40  }
0x1b: {  	[sflag:s8] =	ssyncset.done $0x0  }
0x1c: {  	[sflag:s8] =	ssyncadd.s32 $0xFFFFFFC0  }
0x1d: {  	_ =	swait.ge [sflag:s8], $0x40  }
0x1e: {  	[sflag:s8] =	ssyncset.done $0x0  }
0x1f: {  	[sflag:s8] =	ssyncadd.s32 $0xFFFFFFC0  }
0x20: {  	_ =	swait.ge [sflag:s8], $0xC000  }
0x21: {  	[sflag:s8] =	ssyncset.done $0x0  }
0x22: {  	[sflag:s8] =	ssyncadd.s32 $0xFFFF4000  }
0x23: {  	v3 =	vld [tilespmem:$0x0];
	_ =	sdelay $0x4  }
0x24: {  	v4 =	vshrl.u32 v3, $0x3  }
0x25: {  	v4 =	vmul.u32 $0x30, v4  }
0x26: {  	v3 =	vand.u32 $0x7, v3  }
0x27: {  	v3 =	vor.u32 v3, v4  }
0x28: {  	v4 =	vperm.xlane v3, v0;
	_ =	sdelay $0x1  }
0x29: {  	v4 =	vadd.s32 v1, v4;
	_ =	sdelay $0x3  }
0x2a: {  	v3 =	vperm.xlane v3, v2  }
0x2b: {  	[hbm4b:s3+s2] =	stream.indirect_vreg.scatter [tilespmem:s7], [sflag:$0x2], $0x80, v4, vm0, $0xb8;
	[tilespmem:$0xC100] =	vst v63  }
0x2c: {  	s9 =	simm.s32 $0x900;
	v3 =	vadd.s32 v1, v3  }
0x2d: {  	[hbm4b:s4+s2] =	stream.indirect_vreg.scatter [tilespmem:s9], [sflag:$0x2], $0x80, v4, vm0, $0xb8;
	[tilespmem:$0xC100] =	vst v63  }
0x2e: {  	s10 =	simm.s32 $0x1100  }
0x2f: {  	[hbm4b:s5+s2] =	stream.indirect_vreg.scatter [tilespmem:s10], [sflag:$0x2], $0x80, v4, vm0, $0xb8;
	[tilespmem:$0xC100] =	vst v63  }
0x30: {  	s11 =	simm.s32 $0x1900  }
0x31: {  	[hbm4b:s3+s2] =	stream.indirect_vreg.scatter [tilespmem:s11], [sflag:$0x2], $0x80, v3, vm0, $0xb8;
	[tilespmem:$0xC100] =	vst v63  }
0x32: {  	_ = 	snop  }
0x33: {  	[hbm4b:s4+s2] =	stream.indirect_vreg.scatter [tilespmem:s12], [sflag:$0x2], $0x80, v3, vm0, $0xb8;
	[tilespmem:$0xC100] =	vst v63  }
0x34: {  	_ = 	snop  }
0x35: {  	[hbm4b:s5+s2] =	stream.indirect_vreg.scatter [tilespmem:s13], [sflag:$0x2], $0x80, v3, vm0, $0xb8;
	[tilespmem:$0xC100] =	vst v63  }
0x36: {  	v3 =	vld [tilespmem:$0x10];
	_ =	sdelay $0x4  }
0x37: {  	v57 =	vshrl.u32 v3, $0x3  }
0x38: {  	v4 =	vmul.u32 $0x30, v57  }
0x39: {  	v3 =	vand.u32 $0x7, v3  }
0x3a: {  	v3 =	vor.u32 v3, v4  }
0x3b: {  	v4 =	vperm.xlane v3, v0;
	_ =	sdelay $0x1  }
0x3c: {  	v4 =	vadd.s32 v1, v4;
	_ =	sdelay $0x3  }
0x3d: {  	v3 =	vperm.xlane v3, v2  }
0x3e: {  	[hbm4b:s3+s2] =	stream.indirect_vreg.scatter [tilespmem:s14], [sflag:$0x2], $0x80, v4, vm0, $0xb8;
	[tilespmem:$0xC100] =	vst v63  }
0x3f: {  	v3 =	vadd.s32 v1, v3  }
0x40: {  	[hbm4b:s4+s2] =	stream.indirect_vreg.scatter [tilespmem:s15], [sflag:$0x2], $0x80, v4, vm0, $0xb8;
	[tilespmem:$0xC100] =	vst v63  }
0x41: {  	_ = 	snop  }
0x42: {  	[hbm4b:s5+s2] =	stream.indirect_vreg.scatter [tilespmem:s16], [sflag:$0x2], $0x80, v4, vm0, $0xb8;
	[tilespmem:$0xC100] =	vst v63  }
0x43: {  	_ = 	snop  }
0x44: {  	[hbm4b:s3+s2] =	stream.indirect_vreg.scatter [tilespmem:s17], [sflag:$0x2], $0x80, v3, vm0, $0xb8;
	[tilespmem:$0xC100] =	vst v63  }
0x45: {  	_ = 	snop  }
0x46: {  	[hbm4b:s4+s2] =	stream.indirect_vreg.scatter [tilespmem:s18], [sflag:$0x2], $0x80, v3, vm0, $0xb8;
	[tilespmem:$0xC100] =	vst v63  }
0x47: {  	_ = 	snop  }
0x48: {  	[hbm4b:s5+s2] =	stream.indirect_vreg.scatter [tilespmem:s19], [sflag:$0x2], $0x80, v3, vm0, $0xb8;
	[tilespmem:$0xC100] =	vst v63  }
0x49: {  	v3 =	vld [tilespmem:$0x20];
	_ =	sdelay $0x4  }
0x4a: {  	v58 =	vshrl.u32 v3, $0x3  }
0x4b: {  	v4 =	vmul.u32 $0x30, v58  }
0x4c: {  	v3 =	vand.u32 $0x7, v3  }
0x4d: {  	v3 =	vor.u32 v3, v4  }
0x4e: {  	v4 =	vperm.xlane v3, v0;
	_ =	sdelay $0x1  }
0x4f: {  	v4 =	vadd.s32 v1, v4;
	_ =	sdelay $0x3  }
0x50: {  	v3 =	vperm.xlane v3, v2  }
0x51: {  	[hbm4b:s3+s2] =	stream.indirect_vreg.scatter [tilespmem:s20], [sflag:$0x2], $0x80, v4, vm0, $0xb8;
	[tilespmem:$0xC100] =	vst v63  }
0x52: {  	v3 =	vadd.s32 v1, v3  }
0x53: {  	[hbm4b:s4+s2] =	stream.indirect_vreg.scatter [tilespmem:s21], [sflag:$0x2], $0x80, v4, vm0, $0xb8;
	[tilespmem:$0xC100] =	vst v63  }
0x54: {  	_ = 	snop  }
0x55: {  	[hbm4b:s5+s2] =	stream.indirect_vreg.scatter [tilespmem:s22], [sflag:$0x2], $0x80, v4, vm0, $0xb8;
	[tilespmem:$0xC100] =	vst v63  }
0x56: {  	_ = 	snop  }
0x57: {  	[hbm4b:s3+s2] =	stream.indirect_vreg.scatter [tilespmem:s23], [sflag:$0x2], $0x80, v3, vm0, $0xb8;
	[tilespmem:$0xC100] =	vst v63  }
0x58: {  	_ = 	snop  }
0x59: {  	[hbm4b:s4+s2] =	stream.indirect_vreg.scatter [tilespmem:s24], [sflag:$0x2], $0x80, v3, vm0, $0xb8;
	[tilespmem:$0xC100] =	vst v63  }
0x5a: {  	_ = 	snop  }
0x5b: {  	[hbm4b:s5+s2] =	stream.indirect_vreg.scatter [tilespmem:s25], [sflag:$0x2], $0x80, v3, vm0, $0xb8;
	[tilespmem:$0xC100] =	vst v63  }
0x5c: {  	v3 =	vld [tilespmem:$0x30];
	_ =	sdelay $0x4  }
0x5d: {  	v59 =	vshrl.u32 v3, $0x3  }
0x5e: {  	v4 =	vmul.u32 $0x30, v59  }
0x5f: {  	v3 =	vand.u32 $0x7, v3  }
0x60: {  	v3 =	vor.u32 v3, v4  }
0x61: {  	v4 =	vperm.xlane v3, v0;
	_ =	sdelay $0x1  }
0x62: {  	v4 =	vadd.s32 v1, v4;
	_ =	sdelay $0x3  }
0x63: {  	v3 =	vperm.xlane v3, v2  }
0x64: {  	[hbm4b:s3+s2] =	stream.indirect_vreg.scatter [tilespmem:s26], [sflag:$0x2], $0x80, v4, vm0, $0xb8;
	[tilespmem:$0xC100] =	vst v63  }
0x65: {  	v3 =	vadd.s32 v1, v3  }
0x66: {  	[hbm4b:s4+s2] =	stream.indirect_vreg.scatter [tilespmem:s28], [sflag:$0x2], $0x80, v4, vm0, $0xb8;
	[tilespmem:$0xC100] =	vst v63  }
0x67: {  	_ = 	snop  }
0x68: {  	[hbm4b:s5+s2] =	stream.indirect_vreg.scatter [tilespmem:s29], [sflag:$0x2], $0x80, v4, vm0, $0xb8;
	[tilespmem:$0xC100] =	vst v63  }
0x69: {  	_ = 	snop  }
0x6a: {  	[hbm4b:s3+s2] =	stream.indirect_vreg.scatter [tilespmem:s30], [sflag:$0x2], $0x80, v3, vm0, $0xb8;
	[tilespmem:$0xC100] =	vst v63  }
0x6b: {  	_ = 	snop  }
0x6c: {  	[hbm4b:s4+s2] =	stream.indirect_vreg.scatter [tilespmem:s31], [sflag:$0x2], $0x80, v3, vm0, $0xb8;
	[tilespmem:$0xC100] =	vst v63  }
0x6d: {  	_ = 	snop  }
0x6e: {  	[hbm4b:s5+s2] =	stream.indirect_vreg.scatter [tilespmem:s0], [sflag:$0x2], $0x80, v3, vm0, $0xb8;
	[tilespmem:$0xC100] =	vst v63  }
0x6f: {  	v3 =	vld [tilespmem:$0x80];
	_ =	sdelay $0x4  }
0x70: {  	v60 =	vshrl.u32 v3, $0x3  }
0x71: {  	v4 =	vmul.u32 $0x30, v60  }
0x72: {  	v3 =	vand.u32 $0x7, v3  }
0x73: {  	v3 =	vor.u32 v3, v4  }
0x74: {  	v4 =	vperm.xlane v3, v0;
	_ =	sdelay $0x1  }
0x75: {  	v4 =	vadd.s32 v1, v4;
	_ =	sdelay $0x3  }
0x76: {  	v3 =	vperm.xlane v3, v2  }
0x77: {  	[hbm4b:s3+s2] =	stream.indirect_vreg.scatter [tilespmem:s7], [sflag:$0x2], $0x80, v4, vm0, $0xb8;
	[tilespmem:$0xC100] =	vst v63  }
0x78: {  	v3 =	vadd.s32 v1, v3  }
0x79: {  	[hbm4b:s4+s2] =	stream.indirect_vreg.scatter [tilespmem:s9], [sflag:$0x2], $0x80, v4, vm0, $0xb8;
	[tilespmem:$0xC100] =	vst v63  }
0x7a: {  	_ = 	snop  }
0x7b: {  	[hbm4b:s5+s2] =	stream.indirect_vreg.scatter [tilespmem:s10], [sflag:$0x2], $0x80, v4, vm0, $0xb8;
	[tilespmem:$0xC100] =	vst v63  }
0x7c: {  	_ = 	snop  }
0x7d: {  	[hbm4b:s3+s2] =	stream.indirect_vreg.scatter [tilespmem:s11], [sflag:$0x2], $0x80, v3, vm0, $0xb8;
	[tilespmem:$0xC100] =	vst v63  }
0x7e: {  	_ = 	snop  }
0x7f: {  	[hbm4b:s4+s2] =	stream.indirect_vreg.scatter [tilespmem:s12], [sflag:$0x2], $0x80, v3, vm0, $0xb8;
	[tilespmem:$0xC100] =	vst v63  }
0x80: {  	_ = 	snop  }
0x81: {  	[hbm4b:s5+s2] =	stream.indirect_vreg.scatter [tilespmem:s13], [sflag:$0x2], $0x80, v3, vm0, $0xb8;
	[tilespmem:$0xC100] =	vst v63  }
0x82: {  	v3 =	vld [tilespmem:$0x90];
	_ =	sdelay $0x4  }
0x83: {  	v61 =	vshrl.u32 v3, $0x3  }
0x84: {  	v4 =	vmul.u32 $0x30, v61  }
0x85: {  	v3 =	vand.u32 $0x7, v3  }
0x86: {  	v3 =	vor.u32 v3, v4  }
0x87: {  	v4 =	vperm.xlane v3, v0;
	_ =	sdelay $0x1  }
0x88: {  	v4 =	vadd.s32 v1, v4;
	_ =	sdelay $0x3  }
0x89: {  	v3 =	vperm.xlane v3, v2  }
0x8a: {  	[hbm4b:s3+s2] =	stream.indirect_vreg.scatter [tilespmem:s14], [sflag:$0x2], $0x80, v4, vm0, $0xb8;
	[tilespmem:$0xC100] =	vst v63  }
0x8b: {  	v3 =	vadd.s32 v1, v3  }
0x8c: {  	[hbm4b:s4+s2] =	stream.indirect_vreg.scatter [tilespmem:s15], [sflag:$0x2], $0x80, v4, vm0, $0xb8;
	[tilespmem:$0xC100] =	vst v63  }
0x8d: {  	_ = 	snop  }
0x8e: {  	[hbm4b:s5+s2] =	stream.indirect_vreg.scatter [tilespmem:s16], [sflag:$0x2], $0x80, v4, vm0, $0xb8;
	[tilespmem:$0xC100] =	vst v63  }
0x8f: {  	_ = 	snop  }
0x90: {  	[hbm4b:s3+s2] =	stream.indirect_vreg.scatter [tilespmem:s17], [sflag:$0x2], $0x80, v3, vm0, $0xb8;
	[tilespmem:$0xC100] =	vst v63  }
0x91: {  	_ = 	snop  }
0x92: {  	[hbm4b:s4+s2] =	stream.indirect_vreg.scatter [tilespmem:s18], [sflag:$0x2], $0x80, v3, vm0, $0xb8;
	[tilespmem:$0xC100] =	vst v63  }
0x93: {  	_ = 	snop  }
0x94: {  	[hbm4b:s5+s2] =	stream.indirect_vreg.scatter [tilespmem:s19], [sflag:$0x2], $0x80, v3, vm0, $0xb8;
	[tilespmem:$0xC100] =	vst v63  }
0x95: {  	v3 =	vld [tilespmem:$0xA0];
	_ =	sdelay $0x4  }
0x96: {  	v62 =	vshrl.u32 v3, $0x3  }
0x97: {  	v4 =	vmul.u32 $0x30, v62  }
0x98: {  	v3 =	vand.u32 $0x7, v3  }
0x99: {  	v3 =	vor.u32 v3, v4  }
0x9a: {  	v4 =	vperm.xlane v3, v0;
	_ =	sdelay $0x1  }
0x9b: {  	v4 =	vadd.s32 v1, v4;
	_ =	sdelay $0x3  }
0x9c: {  	v3 =	vperm.xlane v3, v2  }
0x9d: {  	[hbm4b:s3+s2] =	stream.indirect_vreg.scatter [tilespmem:s20], [sflag:$0x2], $0x80, v4, vm0, $0xb8;
	[tilespmem:$0xC100] =	vst v63  }
0x9e: {  	v3 =	vadd.s32 v1, v3  }
0x9f: {  	[hbm4b:s4+s2] =	stream.indirect_vreg.scatter [tilespmem:s21], [sflag:$0x2], $0x80, v4, vm0, $0xb8;
	[tilespmem:$0xC100] =	vst v63  }
0xa0: {  	_ = 	snop  }
0xa1: {  	[hbm4b:s5+s2] =	stream.indirect_vreg.scatter [tilespmem:s22], [sflag:$0x2], $0x80, v4, vm0, $0xb8;
	[tilespmem:$0xC100] =	vst v63  }
0xa2: {  	_ = 	snop  }
0xa3: {  	[hbm4b:s3+s2] =	stream.indirect_vreg.scatter [tilespmem:s23], [sflag:$0x2], $0x80, v3, vm0, $0xb8;
	[tilespmem:$0xC100] =	vst v63  }
0xa4: {  	_ = 	snop  }
0xa5: {  	[hbm4b:s4+s2] =	stream.indirect_vreg.scatter [tilespmem:s24], [sflag:$0x2], $0x80, v3, vm0, $0xb8;
	[tilespmem:$0xC100] =	vst v63  }
0xa6: {  	_ = 	snop  }
0xa7: {  	[hbm4b:s5+s2] =	stream.indirect_vreg.scatter [tilespmem:s25], [sflag:$0x2], $0x80, v3, vm0, $0xb8;
	[tilespmem:$0xC100] =	vst v63  }
0xa8: {  	v3 =	vld [tilespmem:$0xB0];
	_ =	sdelay $0x4  }
0xa9: {  	v63 =	vshrl.u32 v3, $0x3  }
0xaa: {  	v4 =	vmul.u32 $0x30, v63  }
0xab: {  	v3 =	vand.u32 $0x7, v3  }
0xac: {  	v3 =	vor.u32 v3, v4  }
0xad: {  	v4 =	vperm.xlane v3, v0;
	_ =	sdelay $0x1  }
0xae: {  	v4 =	vadd.s32 v1, v4;
	_ =	sdelay $0x3  }
0xaf: {  	v3 =	vperm.xlane v3, v2  }
0xb0: {  	[hbm4b:s3+s2] =	stream.indirect_vreg.scatter [tilespmem:s26], [sflag:$0x2], $0x80, v4, vm0, $0xb8;
	[tilespmem:$0xC100] =	vst v63  }
0xb1: {  	v3 =	vadd.s32 v1, v3  }
0xb2: {  	[hbm4b:s4+s2] =	stream.indirect_vreg.scatter [tilespmem:s28], [sflag:$0x2], $0x80, v4, vm0, $0xb8;
	[tilespmem:$0xC100] =	vst v63  }
0xb3: {  	_ = 	snop  }
0xb4: {  	[hbm4b:s5+s2] =	stream.indirect_vreg.scatter [tilespmem:s29], [sflag:$0x2], $0x80, v4, vm0, $0xb8;
	[tilespmem:$0xC100] =	vst v63  }
0xb5: {  	_ = 	snop  }
0xb6: {  	[hbm4b:s3+s2] =	stream.indirect_vreg.scatter [tilespmem:s30], [sflag:$0x2], $0x80, v3, vm0, $0xb8;
	[tilespmem:$0xC100] =	vst v63  }
0xb7: {  	_ = 	snop  }
0xb8: {  	[hbm4b:s4+s2] =	stream.indirect_vreg.scatter [tilespmem:s31], [sflag:$0x2], $0x80, v3, vm0, $0xb8;
	[tilespmem:$0xC100] =	vst v63  }
0xb9: {  	_ = 	snop  }
0xba: {  	[hbm4b:s5+s2] =	stream.indirect_vreg.scatter [tilespmem:s0], [sflag:$0x2], $0x80, v3, vm0, $0xb8;
	[tilespmem:$0xC100] =	vst v63  }
0xbb: {  	p0 =	sne.s32 s6, $0x1;
	_ =	swait.ge [sflag:s1], $0xC000  }
.Ltmp0:
0xbc: {  	[sflag:s1] =	ssyncset.done $0x0;
	(pc) =	sbr.rel @p0 .LBB2_1-.Ltmp0, $4  }
0xbd: {  	[sflag:s1] =	ssyncadd.s32 $0xFFFF4000  }
0xbe: {  	_ =	swait.ge [sflag:s1], $0xC000  }
0xbf: {  	[sflag:s1] =	ssyncset.done $0x0  }
0xc0: {  	s6 =	sadd.s32 $0xFFFFFFFF, s6;
	[sflag:s1] =	ssyncadd.s32 $0xFFFF4000  }
0xc1: {  	_ =	sfence.sel $0x180000  }
0xc2: {  	[bflag:$0x0] =	sbarrier.arrive $0xFFFF  }
0xc3: {  	_ =	strace $0x9000004A  }
0xc4: {  	s0 =	stileid.u32;
	[bflag:$0x2] =	sbarrier.arrive $0xFFFF  }
0xc5: {  	p0 =	sne.s32 s0, $0x0;
	s0 =	rddreg [dreg:$0x2]  }
0xc6: {  	s0 =	sadd.s32 @!p0 $0x100000, s0  }
0xc7: {  	[sflag:s0] =	ssyncadd.tile.s32 @!p0 $0x1;
	_ =	shalt  }
.Lfunc_end2:
_tile_overlayer_lowered:
.L_overlay_start_2:
0xc8: {  	(tag) =	ssettag $0x2  }
0xc9: {  	s0 =	rddreg [dreg:$0x0];
	s2 =	stileid.u32  }
0xca: {  	s1 =	rddreg [dreg:$0x1];
	p0 =	sne.s32 s2, $0x0  }
0xcb: {  	s3 =	rddreg [dreg:$0x2];
	[bflag:$0x3] =	sbarrier.arrive $0xFFFF;
	s2 =	simm.s32 @!p0 $0x1C03  }
0xcc: {  	[timem:s3], [sflag:s2] =	dma.local @!p0 [hbm:s0], s1  }
0xcd: {  	s0 =	simm.s32 @!p0 $0x3  }
0xce: {  	_ =	swait.ge @!p0 [sflag:s0], s1  }
0xcf: {  	s1 =	ssub.s32 @!p0 $0x0, s1;
	[sflag:s0] =	ssyncset.done @!p0 $0x0  }
0xd0: {  	[sflag:s0] =	ssyncadd.s32 @!p0 s1  }
0xd1: {  	[bflag:$0x3] =	sbarrier.arrive $0xFFFF  }
0xd2: {  	_ =	shalt  }

</sc_bundles>
